<compile_context>
chip_gen: v7x
topology: tpu7x:2x2x1
jax: 0.10.2.dev20260603
libtpu: 0.0.44.dev20260713+nightly
codegen_flags: <defaults>
</compile_context>

<pallas_src>
import functools

import jax
import jax.numpy as jnp
from jax import lax
from jax.experimental import pallas as pl
from jax.experimental.pallas import tpu as pltpu
from jax.experimental.pallas import tpu_sc as plsc


def _sc_gather(features, col2d, E, D, nodes2d=None, B=0):
    NW = 32
    IPC = 128
    epw = E // NW
    ech = epw // IPC
    with_nodes = nodes2d is not None
    mesh = plsc.VectorSubcoreMesh(core_axis_name="c", subcore_axis_name="s")

    out_type = [jax.ShapeDtypeStruct((E, D), jnp.float32)]
    scratch = [
        pltpu.VMEM((ech, IPC), jnp.int32),
        pltpu.VMEM((IPC, D), jnp.float32),
        pltpu.VMEM((IPC, D), jnp.float32),
        pltpu.SemaphoreType.DMA,
        pltpu.SemaphoreType.DMA,
        pltpu.SemaphoreType.DMA,
        pltpu.SemaphoreType.DMA,
    ]
    if with_nodes:
        out_type.append(jax.ShapeDtypeStruct((B, D), jnp.float32))
        scratch.append(pltpu.VMEM((1, IPC), jnp.int32))
        bpw = B // NW

    @functools.partial(
        pl.kernel, mesh=mesh, out_type=tuple(out_type), scratch_types=scratch)
    def k(feat_hbm, col_hbm, *rest):
        if with_nodes:
            (nodes_hbm, g_out, s_out,
             colv, rows_a, rows_b, sem_a, sem_b, sem_wa, sem_wb,
             nodev) = rest
        else:
            g_out, colv, rows_a, rows_b, sem_a, sem_b, sem_wa, sem_wb = rest
        wid = lax.axis_index("s") * 2 + lax.axis_index("c")
        base = wid * epw
        pltpu.sync_copy(col_hbm.at[pl.ds(wid * ech, ech)], colv)

        def start(j, buf, sem):
            pltpu.make_async_copy(feat_hbm.at[colv.at[j]], buf, sem).start()

        def finish(j, buf, sem):
            pltpu.make_async_copy(feat_hbm.at[colv.at[j]], buf, sem).wait()
            pltpu.sync_copy(buf, g_out.at[pl.ds(base + j * IPC, IPC)])

        start(0, rows_a, sem_a)

        def body(p, carry):
            j0 = 2 * p
            start(j0 + 1, rows_b, sem_b)
            finish(j0, rows_a, sem_a)

            @pl.when(j0 + 2 < ech)
            def _():
                start(j0 + 2, rows_a, sem_a)

            finish(j0 + 1, rows_b, sem_b)
            return carry

        lax.fori_loop(0, ech // 2, body, 0)

        if with_nodes:
            nbase = wid * bpw
            pltpu.sync_copy(nodes_hbm.at[pl.ds(wid, 1)], nodev)
            pltpu.async_copy(feat_hbm.at[nodev.at[0]], rows_a, sem_a).wait()
            pltpu.sync_copy(rows_a, s_out.at[pl.ds(nbase, IPC)])

    if with_nodes:
        return k(features, col2d, nodes2d)
    return k(features, col2d)[0]


def _prep_weights(k, remb_ref, W1a_ref, W1b_ref, b1_ref, rp_ref, w1ab_ref):
    @pl.when(k == 0)
    def _():
        rp_ref[...] = (jnp.dot(remb_ref[...], W1b_ref[...],
                               preferred_element_type=jnp.float32)
                       + b1_ref[...]).astype(jnp.bfloat16)
        w1ab_ref[...] = W1a_ref[...].astype(jnp.bfloat16)


def _edge_chunk(bounds_ref, G_ref, rowrat_ref, rp_ref, w1ab_ref,
                acc, cnt, k, CH):
    rows = rowrat_ref[0, 0:1, :]
    rats = rowrat_ref[0, 1:2, :]
    r0 = bounds_ref[k, 0]
    r1 = bounds_ref[k, 1]
    w0 = (r0 // 8) * 8
    nw = (r1 - w0) // 128 + 1

    rproj = rp_ref[...]
    w1a = w1ab_ref[...]

    iota_rg = lax.broadcasted_iota(jnp.int32, (128, 1), 0)
    iota_r8 = lax.broadcasted_iota(jnp.int32, (8, 1), 0)
    ones_c8 = jnp.ones((CH, 8), jnp.bfloat16)

    ohr_t = (rats == iota_r8).astype(jnp.bfloat16)
    re = lax.dot_general(ohr_t, rproj, (((0,), (0,)), ((), ())),
                         preferred_element_type=jnp.float32)
    x = jnp.maximum(
        jnp.dot(G_ref[...].astype(jnp.bfloat16), w1a,
                preferred_element_type=jnp.float32) + re,
        0.0).astype(jnp.bfloat16)

    def window(j, carry):
        w = w0 + j * 128
        Mt = ((rows - w) == iota_rg).astype(jnp.bfloat16)
        part = jnp.dot(Mt, x, preferred_element_type=jnp.float32)
        pcnt = jnp.dot(Mt, ones_c8, preferred_element_type=jnp.float32)
        acc[pl.ds(w, 128), :] += part
        cnt[pl.ds(w, 128), :] += pcnt
        return carry

    lax.fori_loop(0, nw, window, 0)


def _tc_body1(bounds_ref, G_ref, rowrat_ref, remb_ref,
              W1a_ref, W1b_ref, b1_ref, acc_ref, cnt_ref,
              rp_ref, w1ab_ref, *, CH):
    k = pl.program_id(0)

    @pl.when(k == 0)
    def _():
        acc_ref[...] = jnp.zeros_like(acc_ref)
        cnt_ref[...] = jnp.zeros_like(cnt_ref)

    _prep_weights(k, remb_ref, W1a_ref, W1b_ref, b1_ref, rp_ref, w1ab_ref)
    _edge_chunk(bounds_ref, G_ref, rowrat_ref, rp_ref, w1ab_ref,
                acc_ref, cnt_ref, k, CH)


def _tc_body2(bounds_ref, G_ref, rowrat_ref, remb_ref,
              W1a_ref, W1b_ref, b1_ref, accin_ref, cntin_ref,
              S_ref, W2a_ref, W2b_ref, b2_ref,
              out_ref, acc, cnt, rp_ref, w1ab_ref, *, CH, B, NK):
    k = pl.program_id(0)

    @pl.when(k == 0)
    def _():
        acc[...] = accin_ref[...]
        cnt[...] = cntin_ref[...]

    _prep_weights(k, remb_ref, W1a_ref, W1b_ref, b1_ref, rp_ref, w1ab_ref)
    _edge_chunk(bounds_ref, G_ref, rowrat_ref, rp_ref, w1ab_ref,
                acc, cnt, k, CH)

    @pl.when(k == NK - 1)
    def _():
        neigh = acc[0:B, :] / jnp.maximum(cnt[0:B, 0:1], 1.0)
        out = (jnp.dot(S_ref[...], W2a_ref[...],
                       preferred_element_type=jnp.float32)
               + jnp.dot(neigh, W2b_ref[...],
                         preferred_element_type=jnp.float32)
               + b2_ref[...])
        out_ref[...] = jnp.maximum(out, 0.0)


def _tc_phase1(G, rowrat, bounds, remb8, W1a, W1b, b1,
               E, B, D, CH, interpret=False):
    NK = E // CH
    full = lambda shape: pl.BlockSpec(shape, lambda k: tuple(0 for _ in shape))
    return pl.pallas_call(
        functools.partial(_tc_body1, CH=CH),
        grid=(NK,),
        in_specs=[
            pl.BlockSpec(memory_space=pltpu.SMEM),
            pl.BlockSpec((CH, D), lambda k: (k, 0)),
            pl.BlockSpec((1, 2, CH), lambda k: (k, 0, 0)),
            full((8, D)), full((D, D)), full((D, D)), full((1, D)),
        ],
        out_specs=(full((B + 128, D)), full((B + 128, 8))),
        out_shape=(jax.ShapeDtypeStruct((B + 128, D), jnp.float32),
                   jax.ShapeDtypeStruct((B + 128, 8), jnp.float32)),
        scratch_shapes=[
            pltpu.VMEM((8, D), jnp.bfloat16),
            pltpu.VMEM((D, D), jnp.bfloat16),
        ],
        compiler_params=pltpu.CompilerParams(
            dimension_semantics=("arbitrary",)),
        interpret=interpret,
    )(bounds, G, rowrat, remb8, W1a, W1b, b1)


def _tc_phase2(G, S, rowrat, bounds, accin, cntin, remb8, W1a, W1b, b1,
               W2a, W2b, b2, E, B, D, CH, interpret=False):
    NK = E // CH
    full = lambda shape: pl.BlockSpec(shape, lambda k: tuple(0 for _ in shape))
    return pl.pallas_call(
        functools.partial(_tc_body2, CH=CH, B=B, NK=NK),
        grid=(NK,),
        in_specs=[
            pl.BlockSpec(memory_space=pltpu.SMEM),
            pl.BlockSpec((CH, D), lambda k: (k, 0)),
            pl.BlockSpec((1, 2, CH), lambda k: (k, 0, 0)),
            full((8, D)), full((D, D)), full((D, D)), full((1, D)),
            full((B + 128, D)), full((B + 128, 8)),
            full((B, D)),
            full((D, D)), full((D, D)), full((1, D)),
        ],
        out_specs=pl.BlockSpec((B, D), lambda k: (0, 0)),
        out_shape=jax.ShapeDtypeStruct((B, D), jnp.float32),
        scratch_shapes=[
            pltpu.VMEM((B + 128, D), jnp.float32),
            pltpu.VMEM((B + 128, 8), jnp.float32),
            pltpu.VMEM((8, D), jnp.bfloat16),
            pltpu.VMEM((D, D), jnp.bfloat16),
        ],
        compiler_params=pltpu.CompilerParams(
            dimension_semantics=("arbitrary",)),
        interpret=interpret,
    )(bounds, G, rowrat, remb8, W1a, W1b, b1, accin, cntin, S, W2a, W2b, b2)


def kernel(nodes, g, ratings, row_idxs, col_idxs, features, rating_emb,
           W1, b1, W2, b2):
    E = col_idxs.shape[0]
    B = nodes.shape[0]
    V, D = features.shape
    R = rating_emb.shape[0]

    CH = 2048
    half = E // 2
    nodes2d = nodes.reshape(B // 128, 128)
    colA = col_idxs[:half].reshape(half // 128, 128)
    colB = col_idxs[half:].reshape(half // 128, 128)
    G1 = _sc_gather(features, colA, half, D)
    G2, S = _sc_gather(features, colB, half, D, nodes2d, B)

    rowrat = jnp.stack(
        [row_idxs.reshape(E // CH, CH), ratings.reshape(E // CH, CH)], axis=1)
    bounds = jnp.stack([row_idxs[::CH], row_idxs[CH - 1::CH]], axis=1)
    nkh = E // CH // 2
    remb8 = jnp.zeros((8, D), jnp.float32).at[:R].set(rating_emb)
    W1a, W1b = W1[:D], W1[D:]
    W2a, W2b = W2[:D], W2[D:]
    b1r, b2r = b1.reshape(1, D), b2.reshape(1, D)
    acc, cnt = _tc_phase1(G1, rowrat[:nkh], bounds[:nkh], remb8,
                          W1a, W1b, b1r, half, B, D, CH)
    return _tc_phase2(G2, S, rowrat[nkh:], bounds[nkh:], acc, cnt, remb8,
                      W1a, W1b, b1r, W2a, W2b, b2r, half, B, D, CH)

# --- scband reference (transcript-rebuilt; emitter-appended) ---
"""Pipeline reference for scband-uv-encoder-35210141892981 (READ-ONLY COPY).

The authoritative reference and input builder live on the scoring server;
editing this copy changes nothing except your own understanding.
"""

import jax, jax.numpy as jnp
import numpy as np

B = 4096      # seed nodes per batch
E = 131072    # edges (B * avg_degree 32)
D = 128       # embed_dim
V = 100000    # num embeddings (nodes/items)
R = 6         # rating vocab


def setup_inputs(seed: int = 0) -> dict:
    key = jax.random.key(seed)
    ks = jax.random.split(key, 10)
    nodes = jax.random.randint(ks[0], (B,), 0, V, dtype=jnp.int32)
    g = jnp.ones((1,), dtype=jnp.int32)  # opaque graph handle placeholder (unused math-wise)
    ratings = jax.random.randint(ks[1], (E,), 0, R, dtype=jnp.int32)
    row_idxs = jnp.sort(jax.random.randint(ks[2], (E,), 0, B, dtype=jnp.int32))
    col_idxs = jax.random.randint(ks[3], (E,), 0, V, dtype=jnp.int32)
    # learned parameters
    features = jax.random.normal(ks[4], (V, D), dtype=jnp.float32) * 0.02      # self/neighbor embedding table (features.weight)
    rating_emb = jax.random.normal(ks[5], (R, D), dtype=jnp.float32) * 0.02    # aggregator rating embedding
    W1 = jax.random.normal(ks[6], (2 * D, D), dtype=jnp.float32) * 0.05        # aggregator MLP on cat(neigh, rating)
    b1 = jnp.zeros((D,), dtype=jnp.float32)
    W2 = jax.random.normal(ks[7], (2 * D, D), dtype=jnp.float32) * 0.05        # encoder self.linear (2*D -> D)
    b2 = jnp.zeros((D,), dtype=jnp.float32)
    return {
        "nodes": nodes, "g": g, "ratings": ratings,
        "row_idxs": row_idxs, "col_idxs": col_idxs,
        "features": features, "rating_emb": rating_emb,
        "W1": W1, "b1": b1, "W2": W2, "b2": b2,
    }


def reference(nodes, g, ratings, row_idxs, col_idxs, features, rating_emb, W1, b1, W2, b2):
    nB = nodes.shape[0]
    # --- aggregator.forward(nodes, g, row_idxs, col_idxs, ratings) ---
    # gather neighbor embeddings and rating embeddings per edge
    e_uv = jnp.take(features, col_idxs, axis=0)          # [E, D]
    r_e = jnp.take(rating_emb, ratings, axis=0)          # [E, D]
    x = jax.nn.relu(jnp.concatenate([e_uv, r_e], axis=1) @ W1 + b1)  # [E, D]
    # mean aggregation per destination (seed) node via segment_sum
    sums = jax.ops.segment_sum(x, row_idxs, num_segments=nB)                         # [B, D]
    counts = jax.ops.segment_sum(jnp.ones((x.shape[0], 1), x.dtype), row_idxs, num_segments=nB)
    neigh_feats = sums / jnp.maximum(counts, 1.0)        # [B, D]
    # --- encoder body ---
    self_feats = jnp.take(features, nodes, axis=0)       # features.weight[nodes]
    combined = jnp.concatenate([self_feats, neigh_feats], axis=1)  # [B, 2D]
    return jax.nn.relu(combined @ W2 + b2)               # [B, D]

if __name__ == "__main__":
    import jax
    _d = setup_inputs()
    print(jax.jit(kernel)(*tuple(_d.values())))

</pallas_src>

<mosaic_0001>
#map = affine_map<(d0, d1) -> (0, 0)>
module attributes {stable_mosaic.version = 14 : i64} {
  func.func @k(%arg0: i32, %arg1: i32, %arg2: memref<100000x128xf32, #tpu.memory_space<hbm>>, %arg3: memref<512x128xi32, #tpu.memory_space<hbm>>, %arg4: memref<65536x128xf32, #tpu.memory_space<hbm>>, %arg5: memref<16x128xi32, #tpu.memory_space<vmem>>, %arg6: memref<128x128xf32, #tpu.memory_space<vmem>>, %arg7: memref<128x128xf32, #tpu.memory_space<vmem>>, %arg8: memref<!tpu.dma_semaphore, #tpu.memory_space<semaphore_mem>>, %arg9: memref<!tpu.dma_semaphore, #tpu.memory_space<semaphore_mem>>, %arg10: memref<!tpu.dma_semaphore, #tpu.memory_space<semaphore_mem>>, %arg11: memref<!tpu.dma_semaphore, #tpu.memory_space<semaphore_mem>>) attributes {dimension_semantics = [#tpu.dimension_semantics<core_parallel>, #tpu.dimension_semantics<subcore_parallel>], iteration_bounds = array<i64: 2, 16>, scalar_prefetch = 0 : i64, scratch_operands = 7 : i64, tpu.core_type = #tpu.core_type<sc_vector_subcore>, window_params = [{transform_indices = #map}, {transform_indices = #map}, {transform_indices = #map}]} {
    %mul3A = arith.constant 2 : i32
    %mul3A_0 = arith.muli %arg1, %mul3A : i32
    %add3A = arith.addi %mul3A_0, %arg0 : i32
    %mul3A_1 = arith.constant 2048 : i32
    %mul3A_2 = arith.muli %add3A, %mul3A_1 : i32
    %mul3A_3 = arith.constant 16 : i32
    %mul3A_4 = arith.muli %add3A, %mul3A_3 : i32
    "tpu.region"() ({
      %run_scoped3A = tpu.sem_alloc : memref<!tpu.dma_semaphore, #tpu.memory_space<semaphore_mem>>
      %dma_start3A_16 = arith.constant 0 : i32
      %dma_start3A_17 = tpu.memref_slice %arg3[%mul3A_4, %dma_start3A_16] : memref<512x128xi32, #tpu.memory_space<hbm>> -> memref<16x128xi32, #tpu.memory_space<hbm>>
      %dma_start3A_18 = arith.constant 0 : i32
      %dma_start3A_19 = tpu.memref_slice %arg3[%mul3A_4, %dma_start3A_18] : memref<512x128xi32, #tpu.memory_space<hbm>> -> memref<16x128xi32, #tpu.memory_space<hbm>>
      tpu.enqueue_dma source(%dma_start3A_19 : memref<16x128xi32, #tpu.memory_space<hbm>>) target(%arg5 : memref<16x128xi32, #tpu.memory_space<vmem>>) target_semaphore(%run_scoped3A : memref<!tpu.dma_semaphore, #tpu.memory_space<semaphore_mem>>)
      %dma_wait3A = arith.constant 0 : i32
      %dma_wait3A_20 = tpu.memref_slice %arg3[%mul3A_4, %dma_wait3A] : memref<512x128xi32, #tpu.memory_space<hbm>> -> memref<16x128xi32, #tpu.memory_space<hbm>>
      %dma_wait3A_21 = arith.constant 0 : i32
      %dma_wait3A_22 = tpu.memref_slice %arg3[%mul3A_4, %dma_wait3A_21] : memref<512x128xi32, #tpu.memory_space<hbm>> -> memref<16x128xi32, #tpu.memory_space<hbm>>
      tpu.wait_dma2 semaphore(%run_scoped3A : memref<!tpu.dma_semaphore, #tpu.memory_space<semaphore_mem>>) src(%dma_wait3A_22 : memref<16x128xi32, #tpu.memory_space<hbm>>) dst(%arg5 : memref<16x128xi32, #tpu.memory_space<vmem>>)
      tpu.yield
    }) : () -> ()
    %dma_start3A = arith.constant 0 : i32
    %dma_start3A_5 = arith.constant 0 : i32
    %dma_start3A_6 = tpu.memref_slice %arg5[%dma_start3A, %dma_start3A_5] : memref<16x128xi32, #tpu.memory_space<vmem>> -> memref<1x128xi32, #tpu.memory_space<vmem>>
    %dma_start3A_7 = tpu.memref_squeeze %dma_start3A_6 : memref<1x128xi32, #tpu.memory_space<vmem>> -> memref<128xi32, #tpu.memory_space<vmem>>
    %dma_start3A_8 = arith.constant 0 : i32
    %dma_start3A_9 = arith.constant 0 : i32
    %dma_start3A_10 = tpu.memref_slice %arg2[%dma_start3A_8, %dma_start3A_9] : memref<100000x128xf32, #tpu.memory_space<hbm>> -> memref<100000x128xf32, #tpu.memory_space<hbm>>
    tpu.enqueue_indirect_dma source(%dma_start3A_10 : memref<100000x128xf32, #tpu.memory_space<hbm>>) target(%arg6 : memref<128x128xf32, #tpu.memory_space<vmem>>) offsets(%dma_start3A_7 : memref<128xi32, #tpu.memory_space<vmem>>) semaphore(%arg8 : memref<!tpu.dma_semaphore, #tpu.memory_space<semaphore_mem>>)
    %scan3A = arith.constant 0 : i32
    %scan3A_11 = arith.constant 0 : i32
    %scan3A_12 = arith.constant 8 : i32
    %scan3A_13 = arith.addi %scan3A_11, %scan3A_12 : i32
    %scan3A_14 = arith.constant 1 : i32
    scf.for %scan3A_16 = %scan3A_11 to %scan3A_13 step %scan3A_14  : i32 {
      %mul3A_17 = arith.constant 2 : i32
      %mul3A_18 = arith.muli %mul3A_17, %scan3A_16 : i32
      %add3A_19 = arith.constant 1 : i32
      %add3A_20 = arith.addi %mul3A_18, %add3A_19 : i32
      %dma_start3A_21 = arith.constant 0 : i32
      %dma_start3A_22 = tpu.memref_slice %arg5[%add3A_20, %dma_start3A_21] : memref<16x128xi32, #tpu.memory_space<vmem>> -> memref<1x128xi32, #tpu.memory_space<vmem>>
      %dma_start3A_23 = tpu.memref_squeeze %dma_start3A_22 : memref<1x128xi32, #tpu.memory_space<vmem>> -> memref<128xi32, #tpu.memory_space<vmem>>
      %dma_start3A_24 = arith.constant 0 : i32
      %dma_start3A_25 = arith.constant 0 : i32
      %dma_start3A_26 = tpu.memref_slice %arg2[%dma_start3A_24, %dma_start3A_25] : memref<100000x128xf32, #tpu.memory_space<hbm>> -> memref<100000x128xf32, #tpu.memory_space<hbm>>
      tpu.enqueue_indirect_dma source(%dma_start3A_26 : memref<100000x128xf32, #tpu.memory_space<hbm>>) target(%arg7 : memref<128x128xf32, #tpu.memory_space<vmem>>) offsets(%dma_start3A_23 : memref<128xi32, #tpu.memory_space<vmem>>) semaphore(%arg9 : memref<!tpu.dma_semaphore, #tpu.memory_space<semaphore_mem>>)
      %dma_wait3A = arith.constant 0 : i32
      %dma_wait3A_27 = tpu.memref_slice %arg5[%mul3A_18, %dma_wait3A] : memref<16x128xi32, #tpu.memory_space<vmem>> -> memref<1x128xi32, #tpu.memory_space<vmem>>
      %dma_wait3A_28 = tpu.memref_squeeze %dma_wait3A_27 : memref<1x128xi32, #tpu.memory_space<vmem>> -> memref<128xi32, #tpu.memory_space<vmem>>
      %dma_wait3A_29 = arith.constant 0 : i32
      %dma_wait3A_30 = arith.constant 0 : i32
      %dma_wait3A_31 = tpu.memref_slice %arg2[%dma_wait3A_29, %dma_wait3A_30] : memref<100000x128xf32, #tpu.memory_space<hbm>> -> memref<100000x128xf32, #tpu.memory_space<hbm>>
      tpu.wait_indirect_dma semaphore(%arg8 : memref<!tpu.dma_semaphore, #tpu.memory_space<semaphore_mem>>) src(%dma_wait3A_31 : memref<100000x128xf32, #tpu.memory_space<hbm>>) dst(%arg6 : memref<128x128xf32, #tpu.memory_space<vmem>>)
      %mul3A_32 = arith.constant 128 : i32
      %mul3A_33 = arith.muli %mul3A_18, %mul3A_32 : i32
      %add3A_34 = arith.addi %mul3A_2, %mul3A_33 : i32
      "tpu.region"() ({
        %run_scoped3A = tpu.sem_alloc : memref<!tpu.dma_semaphore, #tpu.memory_space<semaphore_mem>>
        %dma_start3A_50 = arith.constant 0 : i32
        %dma_start3A_51 = tpu.memref_slice %arg4[%add3A_34, %dma_start3A_50] : memref<65536x128xf32, #tpu.memory_space<hbm>> -> memref<128x128xf32, #tpu.memory_space<hbm>>
        %dma_start3A_52 = arith.constant 0 : i32
        %dma_start3A_53 = tpu.memref_slice %arg4[%add3A_34, %dma_start3A_52] : memref<65536x128xf32, #tpu.memory_space<hbm>> -> memref<128x128xf32, #tpu.memory_space<hbm>>
        tpu.enqueue_dma source(%arg6 : memref<128x128xf32, #tpu.memory_space<vmem>>) target(%dma_start3A_53 : memref<128x128xf32, #tpu.memory_space<hbm>>) target_semaphore(%run_scoped3A : memref<!tpu.dma_semaphore, #tpu.memory_space<semaphore_mem>>)
        %dma_wait3A_54 = arith.constant 0 : i32
        %dma_wait3A_55 = tpu.memref_slice %arg4[%add3A_34, %dma_wait3A_54] : memref<65536x128xf32, #tpu.memory_space<hbm>> -> memref<128x128xf32, #tpu.memory_space<hbm>>
        %dma_wait3A_56 = arith.constant 0 : i32
        %dma_wait3A_57 = tpu.memref_slice %arg4[%add3A_34, %dma_wait3A_56] : memref<65536x128xf32, #tpu.memory_space<hbm>> -> memref<128x128xf32, #tpu.memory_space<hbm>>
        tpu.wait_dma2 semaphore(%run_scoped3A : memref<!tpu.dma_semaphore, #tpu.memory_space<semaphore_mem>>) src(%arg6 : memref<128x128xf32, #tpu.memory_space<vmem>>) dst(%dma_wait3A_57 : memref<128x128xf32, #tpu.memory_space<hbm>>)
        tpu.yield
      }) : () -> ()
      %add3A_35 = arith.constant 2 : i32
      %add3A_36 = arith.addi %mul3A_18, %add3A_35 : i32
      %lt3A = arith.constant 16 : i32
      %lt3A_37 = arith.cmpi slt, %add3A_36, %lt3A : i32
      %convert_element_type3A = arith.extui %lt3A_37 : i1 to i32
      %cond3A = arith.constant 0 : i32
      %cond3A_38 = arith.cmpi ne, %convert_element_type3A, %cond3A : i32
      scf.if %cond3A_38 {
        %add3A_50 = arith.constant 2 : i32
        %add3A_51 = arith.addi %mul3A_18, %add3A_50 : i32
        %dma_start3A_52 = arith.constant 0 : i32
        %dma_start3A_53 = tpu.memref_slice %arg5[%add3A_51, %dma_start3A_52] : memref<16x128xi32, #tpu.memory_space<vmem>> -> memref<1x128xi32, #tpu.memory_space<vmem>>
        %dma_start3A_54 = tpu.memref_squeeze %dma_start3A_53 : memref<1x128xi32, #tpu.memory_space<vmem>> -> memref<128xi32, #tpu.memory_space<vmem>>
        %dma_start3A_55 = arith.constant 0 : i32
        %dma_start3A_56 = arith.constant 0 : i32
        %dma_start3A_57 = tpu.memref_slice %arg2[%dma_start3A_55, %dma_start3A_56] : memref<100000x128xf32, #tpu.memory_space<hbm>> -> memref<100000x128xf32, #tpu.memory_space<hbm>>
        tpu.enqueue_indirect_dma source(%dma_start3A_57 : memref<100000x128xf32, #tpu.memory_space<hbm>>) target(%arg6 : memref<128x128xf32, #tpu.memory_space<vmem>>) offsets(%dma_start3A_54 : memref<128xi32, #tpu.memory_space<vmem>>) semaphore(%arg8 : memref<!tpu.dma_semaphore, #tpu.memory_space<semaphore_mem>>)
      } else {
      }
      %add3A_39 = arith.constant 1 : i32
      %add3A_40 = arith.addi %mul3A_18, %add3A_39 : i32
      %dma_wait3A_41 = arith.constant 0 : i32
      %dma_wait3A_42 = tpu.memref_slice %arg5[%add3A_40, %dma_wait3A_41] : memref<16x128xi32, #tpu.memory_space<vmem>> -> memref<1x128xi32, #tpu.memory_space<vmem>>
      %dma_wait3A_43 = tpu.memref_squeeze %dma_wait3A_42 : memref<1x128xi32, #tpu.memory_space<vmem>> -> memref<128xi32, #tpu.memory_space<vmem>>
      %dma_wait3A_44 = arith.constant 0 : i32
      %dma_wait3A_45 = arith.constant 0 : i32
      %dma_wait3A_46 = tpu.memref_slice %arg2[%dma_wait3A_44, %dma_wait3A_45] : memref<100000x128xf32, #tpu.memory_space<hbm>> -> memref<100000x128xf32, #tpu.memory_space<hbm>>
      tpu.wait_indirect_dma semaphore(%arg9 : memref<!tpu.dma_semaphore, #tpu.memory_space<semaphore_mem>>) src(%dma_wait3A_46 : memref<100000x128xf32, #tpu.memory_space<hbm>>) dst(%arg7 : memref<128x128xf32, #tpu.memory_space<vmem>>)
      %mul3A_47 = arith.constant 128 : i32
      %mul3A_48 = arith.muli %add3A_40, %mul3A_47 : i32
      %add3A_49 = arith.addi %mul3A_2, %mul3A_48 : i32
      "tpu.region"() ({
        %run_scoped3A = tpu.sem_alloc : memref<!tpu.dma_semaphore, #tpu.memory_space<semaphore_mem>>
        %dma_start3A_50 = arith.constant 0 : i32
        %dma_start3A_51 = tpu.memref_slice %arg4[%add3A_49, %dma_start3A_50] : memref<65536x128xf32, #tpu.memory_space<hbm>> -> memref<128x128xf32, #tpu.memory_space<hbm>>
        %dma_start3A_52 = arith.constant 0 : i32
        %dma_start3A_53 = tpu.memref_slice %arg4[%add3A_49, %dma_start3A_52] : memref<65536x128xf32, #tpu.memory_space<hbm>> -> memref<128x128xf32, #tpu.memory_space<hbm>>
        tpu.enqueue_dma source(%arg7 : memref<128x128xf32, #tpu.memory_space<vmem>>) target(%dma_start3A_53 : memref<128x128xf32, #tpu.memory_space<hbm>>) target_semaphore(%run_scoped3A : memref<!tpu.dma_semaphore, #tpu.memory_space<semaphore_mem>>)
        %dma_wait3A_54 = arith.constant 0 : i32
        %dma_wait3A_55 = tpu.memref_slice %arg4[%add3A_49, %dma_wait3A_54] : memref<65536x128xf32, #tpu.memory_space<hbm>> -> memref<128x128xf32, #tpu.memory_space<hbm>>
        %dma_wait3A_56 = arith.constant 0 : i32
        %dma_wait3A_57 = tpu.memref_slice %arg4[%add3A_49, %dma_wait3A_56] : memref<65536x128xf32, #tpu.memory_space<hbm>> -> memref<128x128xf32, #tpu.memory_space<hbm>>
        tpu.wait_dma2 semaphore(%run_scoped3A : memref<!tpu.dma_semaphore, #tpu.memory_space<semaphore_mem>>) src(%arg7 : memref<128x128xf32, #tpu.memory_space<vmem>>) dst(%dma_wait3A_57 : memref<128x128xf32, #tpu.memory_space<hbm>>)
        tpu.yield
      }) : () -> ()
    }
    %scan3A_15 = arith.constant 8 : i32
    return
  }
}

#map = affine_map<(d0, d1) -> (0, 0)>
module attributes {stable_mosaic.version = 14 : i64} {
  func.func @k(%arg0: i32, %arg1: i32, %arg2: memref<100000x128xf32, #tpu.memory_space<hbm>>, %arg3: memref<512x128xi32, #tpu.memory_space<hbm>>, %arg4: memref<32x128xi32, #tpu.memory_space<hbm>>, %arg5: memref<65536x128xf32, #tpu.memory_space<hbm>>, %arg6: memref<4096x128xf32, #tpu.memory_space<hbm>>, %arg7: memref<16x128xi32, #tpu.memory_space<vmem>>, %arg8: memref<128x128xf32, #tpu.memory_space<vmem>>, %arg9: memref<128x128xf32, #tpu.memory_space<vmem>>, %arg10: memref<!tpu.dma_semaphore, #tpu.memory_space<semaphore_mem>>, %arg11: memref<!tpu.dma_semaphore, #tpu.memory_space<semaphore_mem>>, %arg12: memref<!tpu.dma_semaphore, #tpu.memory_space<semaphore_mem>>, %arg13: memref<!tpu.dma_semaphore, #tpu.memory_space<semaphore_mem>>, %arg14: memref<1x128xi32, #tpu.memory_space<vmem>>) attributes {dimension_semantics = [#tpu.dimension_semantics<core_parallel>, #tpu.dimension_semantics<subcore_parallel>], iteration_bounds = array<i64: 2, 16>, scalar_prefetch = 0 : i64, scratch_operands = 8 : i64, tpu.core_type = #tpu.core_type<sc_vector_subcore>, window_params = [{transform_indices = #map}, {transform_indices = #map}, {transform_indices = #map}, {transform_indices = #map}, {transform_indices = #map}]} {
    %mul3A = arith.constant 2 : i32
    %mul3A_0 = arith.muli %arg1, %mul3A : i32
    %add3A = arith.addi %mul3A_0, %arg0 : i32
    %mul3A_1 = arith.constant 2048 : i32
    %mul3A_2 = arith.muli %add3A, %mul3A_1 : i32
    %mul3A_3 = arith.constant 16 : i32
    %mul3A_4 = arith.muli %add3A, %mul3A_3 : i32
    "tpu.region"() ({
      %run_scoped3A = tpu.sem_alloc : memref<!tpu.dma_semaphore, #tpu.memory_space<semaphore_mem>>
      %dma_start3A_31 = arith.constant 0 : i32
      %dma_start3A_32 = tpu.memref_slice %arg3[%mul3A_4, %dma_start3A_31] : memref<512x128xi32, #tpu.memory_space<hbm>> -> memref<16x128xi32, #tpu.memory_space<hbm>>
      %dma_start3A_33 = arith.constant 0 : i32
      %dma_start3A_34 = tpu.memref_slice %arg3[%mul3A_4, %dma_start3A_33] : memref<512x128xi32, #tpu.memory_space<hbm>> -> memref<16x128xi32, #tpu.memory_space<hbm>>
      tpu.enqueue_dma source(%dma_start3A_34 : memref<16x128xi32, #tpu.memory_space<hbm>>) target(%arg7 : memref<16x128xi32, #tpu.memory_space<vmem>>) target_semaphore(%run_scoped3A : memref<!tpu.dma_semaphore, #tpu.memory_space<semaphore_mem>>)
      %dma_wait3A_35 = arith.constant 0 : i32
      %dma_wait3A_36 = tpu.memref_slice %arg3[%mul3A_4, %dma_wait3A_35] : memref<512x128xi32, #tpu.memory_space<hbm>> -> memref<16x128xi32, #tpu.memory_space<hbm>>
      %dma_wait3A_37 = arith.constant 0 : i32
      %dma_wait3A_38 = tpu.memref_slice %arg3[%mul3A_4, %dma_wait3A_37] : memref<512x128xi32, #tpu.memory_space<hbm>> -> memref<16x128xi32, #tpu.memory_space<hbm>>
      tpu.wait_dma2 semaphore(%run_scoped3A : memref<!tpu.dma_semaphore, #tpu.memory_space<semaphore_mem>>) src(%dma_wait3A_38 : memref<16x128xi32, #tpu.memory_space<hbm>>) dst(%arg7 : memref<16x128xi32, #tpu.memory_space<vmem>>)
      tpu.yield
    }) : () -> ()
    %dma_start3A = arith.constant 0 : i32
    %dma_start3A_5 = arith.constant 0 : i32
    %dma_start3A_6 = tpu.memref_slice %arg7[%dma_start3A, %dma_start3A_5] : memref<16x128xi32, #tpu.memory_space<vmem>> -> memref<1x128xi32, #tpu.memory_space<vmem>>
    %dma_start3A_7 = tpu.memref_squeeze %dma_start3A_6 : memref<1x128xi32, #tpu.memory_space<vmem>> -> memref<128xi32, #tpu.memory_space<vmem>>
    %dma_start3A_8 = arith.constant 0 : i32
    %dma_start3A_9 = arith.constant 0 : i32
    %dma_start3A_10 = tpu.memref_slice %arg2[%dma_start3A_8, %dma_start3A_9] : memref<100000x128xf32, #tpu.memory_space<hbm>> -> memref<100000x128xf32, #tpu.memory_space<hbm>>
    tpu.enqueue_indirect_dma source(%dma_start3A_10 : memref<100000x128xf32, #tpu.memory_space<hbm>>) target(%arg8 : memref<128x128xf32, #tpu.memory_space<vmem>>) offsets(%dma_start3A_7 : memref<128xi32, #tpu.memory_space<vmem>>) semaphore(%arg10 : memref<!tpu.dma_semaphore, #tpu.memory_space<semaphore_mem>>)
    %scan3A = arith.constant 0 : i32
    %scan3A_11 = arith.constant 0 : i32
    %scan3A_12 = arith.constant 8 : i32
    %scan3A_13 = arith.addi %scan3A_11, %scan3A_12 : i32
    %scan3A_14 = arith.constant 1 : i32
    scf.for %scan3A_31 = %scan3A_11 to %scan3A_13 step %scan3A_14  : i32 {
      %mul3A_32 = arith.constant 2 : i32
      %mul3A_33 = arith.muli %mul3A_32, %scan3A_31 : i32
      %add3A_34 = arith.constant 1 : i32
      %add3A_35 = arith.addi %mul3A_33, %add3A_34 : i32
      %dma_start3A_36 = arith.constant 0 : i32
      %dma_start3A_37 = tpu.memref_slice %arg7[%add3A_35, %dma_start3A_36] : memref<16x128xi32, #tpu.memory_space<vmem>> -> memref<1x128xi32, #tpu.memory_space<vmem>>
      %dma_start3A_38 = tpu.memref_squeeze %dma_start3A_37 : memref<1x128xi32, #tpu.memory_space<vmem>> -> memref<128xi32, #tpu.memory_space<vmem>>
      %dma_start3A_39 = arith.constant 0 : i32
      %dma_start3A_40 = arith.constant 0 : i32
      %dma_start3A_41 = tpu.memref_slice %arg2[%dma_start3A_39, %dma_start3A_40] : memref<100000x128xf32, #tpu.memory_space<hbm>> -> memref<100000x128xf32, #tpu.memory_space<hbm>>
      tpu.enqueue_indirect_dma source(%dma_start3A_41 : memref<100000x128xf32, #tpu.memory_space<hbm>>) target(%arg9 : memref<128x128xf32, #tpu.memory_space<vmem>>) offsets(%dma_start3A_38 : memref<128xi32, #tpu.memory_space<vmem>>) semaphore(%arg11 : memref<!tpu.dma_semaphore, #tpu.memory_space<semaphore_mem>>)
      %dma_wait3A_42 = arith.constant 0 : i32
      %dma_wait3A_43 = tpu.memref_slice %arg7[%mul3A_33, %dma_wait3A_42] : memref<16x128xi32, #tpu.memory_space<vmem>> -> memref<1x128xi32, #tpu.memory_space<vmem>>
      %dma_wait3A_44 = tpu.memref_squeeze %dma_wait3A_43 : memref<1x128xi32, #tpu.memory_space<vmem>> -> memref<128xi32, #tpu.memory_space<vmem>>
      %dma_wait3A_45 = arith.constant 0 : i32
      %dma_wait3A_46 = arith.constant 0 : i32
      %dma_wait3A_47 = tpu.memref_slice %arg2[%dma_wait3A_45, %dma_wait3A_46] : memref<100000x128xf32, #tpu.memory_space<hbm>> -> memref<100000x128xf32, #tpu.memory_space<hbm>>
      tpu.wait_indirect_dma semaphore(%arg10 : memref<!tpu.dma_semaphore, #tpu.memory_space<semaphore_mem>>) src(%dma_wait3A_47 : memref<100000x128xf32, #tpu.memory_space<hbm>>) dst(%arg8 : memref<128x128xf32, #tpu.memory_space<vmem>>)
      %mul3A_48 = arith.constant 128 : i32
      %mul3A_49 = arith.muli %mul3A_33, %mul3A_48 : i32
      %add3A_50 = arith.addi %mul3A_2, %mul3A_49 : i32
      "tpu.region"() ({
        %run_scoped3A = tpu.sem_alloc : memref<!tpu.dma_semaphore, #tpu.memory_space<semaphore_mem>>
        %dma_start3A_66 = arith.constant 0 : i32
        %dma_start3A_67 = tpu.memref_slice %arg5[%add3A_50, %dma_start3A_66] : memref<65536x128xf32, #tpu.memory_space<hbm>> -> memref<128x128xf32, #tpu.memory_space<hbm>>
        %dma_start3A_68 = arith.constant 0 : i32
        %dma_start3A_69 = tpu.memref_slice %arg5[%add3A_50, %dma_start3A_68] : memref<65536x128xf32, #tpu.memory_space<hbm>> -> memref<128x128xf32, #tpu.memory_space<hbm>>
        tpu.enqueue_dma source(%arg8 : memref<128x128xf32, #tpu.memory_space<vmem>>) target(%dma_start3A_69 : memref<128x128xf32, #tpu.memory_space<hbm>>) target_semaphore(%run_scoped3A : memref<!tpu.dma_semaphore, #tpu.memory_space<semaphore_mem>>)
        %dma_wait3A_70 = arith.constant 0 : i32
        %dma_wait3A_71 = tpu.memref_slice %arg5[%add3A_50, %dma_wait3A_70] : memref<65536x128xf32, #tpu.memory_space<hbm>> -> memref<128x128xf32, #tpu.memory_space<hbm>>
        %dma_wait3A_72 = arith.constant 0 : i32
        %dma_wait3A_73 = tpu.memref_slice %arg5[%add3A_50, %dma_wait3A_72] : memref<65536x128xf32, #tpu.memory_space<hbm>> -> memref<128x128xf32, #tpu.memory_space<hbm>>
        tpu.wait_dma2 semaphore(%run_scoped3A : memref<!tpu.dma_semaphore, #tpu.memory_space<semaphore_mem>>) src(%arg8 : memref<128x128xf32, #tpu.memory_space<vmem>>) dst(%dma_wait3A_73 : memref<128x128xf32, #tpu.memory_space<hbm>>)
        tpu.yield
      }) : () -> ()
      %add3A_51 = arith.constant 2 : i32
      %add3A_52 = arith.addi %mul3A_33, %add3A_51 : i32
      %lt3A = arith.constant 16 : i32
      %lt3A_53 = arith.cmpi slt, %add3A_52, %lt3A : i32
      %convert_element_type3A = arith.extui %lt3A_53 : i1 to i32
      %cond3A = arith.constant 0 : i32
      %cond3A_54 = arith.cmpi ne, %convert_element_type3A, %cond3A : i32
      scf.if %cond3A_54 {
        %add3A_66 = arith.constant 2 : i32
        %add3A_67 = arith.addi %mul3A_33, %add3A_66 : i32
        %dma_start3A_68 = arith.constant 0 : i32
        %dma_start3A_69 = tpu.memref_slice %arg7[%add3A_67, %dma_start3A_68] : memref<16x128xi32, #tpu.memory_space<vmem>> -> memref<1x128xi32, #tpu.memory_space<vmem>>
        %dma_start3A_70 = tpu.memref_squeeze %dma_start3A_69 : memref<1x128xi32, #tpu.memory_space<vmem>> -> memref<128xi32, #tpu.memory_space<vmem>>
        %dma_start3A_71 = arith.constant 0 : i32
        %dma_start3A_72 = arith.constant 0 : i32
        %dma_start3A_73 = tpu.memref_slice %arg2[%dma_start3A_71, %dma_start3A_72] : memref<100000x128xf32, #tpu.memory_space<hbm>> -> memref<100000x128xf32, #tpu.memory_space<hbm>>
        tpu.enqueue_indirect_dma source(%dma_start3A_73 : memref<100000x128xf32, #tpu.memory_space<hbm>>) target(%arg8 : memref<128x128xf32, #tpu.memory_space<vmem>>) offsets(%dma_start3A_70 : memref<128xi32, #tpu.memory_space<vmem>>) semaphore(%arg10 : memref<!tpu.dma_semaphore, #tpu.memory_space<semaphore_mem>>)
      } else {
      }
      %add3A_55 = arith.constant 1 : i32
      %add3A_56 = arith.addi %mul3A_33, %add3A_55 : i32
      %dma_wait3A_57 = arith.constant 0 : i32
      %dma_wait3A_58 = tpu.memref_slice %arg7[%add3A_56, %dma_wait3A_57] : memref<16x128xi32, #tpu.memory_space<vmem>> -> memref<1x128xi32, #tpu.memory_space<vmem>>
      %dma_wait3A_59 = tpu.memref_squeeze %dma_wait3A_58 : memref<1x128xi32, #tpu.memory_space<vmem>> -> memref<128xi32, #tpu.memory_space<vmem>>
      %dma_wait3A_60 = arith.constant 0 : i32
      %dma_wait3A_61 = arith.constant 0 : i32
      %dma_wait3A_62 = tpu.memref_slice %arg2[%dma_wait3A_60, %dma_wait3A_61] : memref<100000x128xf32, #tpu.memory_space<hbm>> -> memref<100000x128xf32, #tpu.memory_space<hbm>>
      tpu.wait_indirect_dma semaphore(%arg11 : memref<!tpu.dma_semaphore, #tpu.memory_space<semaphore_mem>>) src(%dma_wait3A_62 : memref<100000x128xf32, #tpu.memory_space<hbm>>) dst(%arg9 : memref<128x128xf32, #tpu.memory_space<vmem>>)
      %mul3A_63 = arith.constant 128 : i32
      %mul3A_64 = arith.muli %add3A_56, %mul3A_63 : i32
      %add3A_65 = arith.addi %mul3A_2, %mul3A_64 : i32
      "tpu.region"() ({
        %run_scoped3A = tpu.sem_alloc : memref<!tpu.dma_semaphore, #tpu.memory_space<semaphore_mem>>
        %dma_start3A_66 = arith.constant 0 : i32
        %dma_start3A_67 = tpu.memref_slice %arg5[%add3A_65, %dma_start3A_66] : memref<65536x128xf32, #tpu.memory_space<hbm>> -> memref<128x128xf32, #tpu.memory_space<hbm>>
        %dma_start3A_68 = arith.constant 0 : i32
        %dma_start3A_69 = tpu.memref_slice %arg5[%add3A_65, %dma_start3A_68] : memref<65536x128xf32, #tpu.memory_space<hbm>> -> memref<128x128xf32, #tpu.memory_space<hbm>>
        tpu.enqueue_dma source(%arg9 : memref<128x128xf32, #tpu.memory_space<vmem>>) target(%dma_start3A_69 : memref<128x128xf32, #tpu.memory_space<hbm>>) target_semaphore(%run_scoped3A : memref<!tpu.dma_semaphore, #tpu.memory_space<semaphore_mem>>)
        %dma_wait3A_70 = arith.constant 0 : i32
        %dma_wait3A_71 = tpu.memref_slice %arg5[%add3A_65, %dma_wait3A_70] : memref<65536x128xf32, #tpu.memory_space<hbm>> -> memref<128x128xf32, #tpu.memory_space<hbm>>
        %dma_wait3A_72 = arith.constant 0 : i32
        %dma_wait3A_73 = tpu.memref_slice %arg5[%add3A_65, %dma_wait3A_72] : memref<65536x128xf32, #tpu.memory_space<hbm>> -> memref<128x128xf32, #tpu.memory_space<hbm>>
        tpu.wait_dma2 semaphore(%run_scoped3A : memref<!tpu.dma_semaphore, #tpu.memory_space<semaphore_mem>>) src(%arg9 : memref<128x128xf32, #tpu.memory_space<vmem>>) dst(%dma_wait3A_73 : memref<128x128xf32, #tpu.memory_space<hbm>>)
        tpu.yield
      }) : () -> ()
    }
    %scan3A_15 = arith.constant 8 : i32
    %mul3A_16 = arith.constant 128 : i32
    %mul3A_17 = arith.muli %add3A, %mul3A_16 : i32
    "tpu.region"() ({
      %run_scoped3A = tpu.sem_alloc : memref<!tpu.dma_semaphore, #tpu.memory_space<semaphore_mem>>
      %dma_start3A_31 = arith.constant 0 : i32
      %dma_start3A_32 = tpu.memref_slice %arg4[%add3A, %dma_start3A_31] : memref<32x128xi32, #tpu.memory_space<hbm>> -> memref<1x128xi32, #tpu.memory_space<hbm>>
      %dma_start3A_33 = arith.constant 0 : i32
      %dma_start3A_34 = tpu.memref_slice %arg4[%add3A, %dma_start3A_33] : memref<32x128xi32, #tpu.memory_space<hbm>> -> memref<1x128xi32, #tpu.memory_space<hbm>>
      tpu.enqueue_dma source(%dma_start3A_34 : memref<1x128xi32, #tpu.memory_space<hbm>>) target(%arg14 : memref<1x128xi32, #tpu.memory_space<vmem>>) target_semaphore(%run_scoped3A : memref<!tpu.dma_semaphore, #tpu.memory_space<semaphore_mem>>)
      %dma_wait3A_35 = arith.constant 0 : i32
      %dma_wait3A_36 = tpu.memref_slice %arg4[%add3A, %dma_wait3A_35] : memref<32x128xi32, #tpu.memory_space<hbm>> -> memref<1x128xi32, #tpu.memory_space<hbm>>
      %dma_wait3A_37 = arith.constant 0 : i32
      %dma_wait3A_38 = tpu.memref_slice %arg4[%add3A, %dma_wait3A_37] : memref<32x128xi32, #tpu.memory_space<hbm>> -> memref<1x128xi32, #tpu.memory_space<hbm>>
      tpu.wait_dma2 semaphore(%run_scoped3A : memref<!tpu.dma_semaphore, #tpu.memory_space<semaphore_mem>>) src(%dma_wait3A_38 : memref<1x128xi32, #tpu.memory_space<hbm>>) dst(%arg14 : memref<1x128xi32, #tpu.memory_space<vmem>>)
      tpu.yield
    }) : () -> ()
    %dma_start3A_18 = arith.constant 0 : i32
    %dma_start3A_19 = arith.constant 0 : i32
    %dma_start3A_20 = tpu.memref_slice %arg14[%dma_start3A_18, %dma_start3A_19] : memref<1x128xi32, #tpu.memory_space<vmem>> -> memref<1x128xi32, #tpu.memory_space<vmem>>
    %dma_start3A_21 = tpu.memref_squeeze %dma_start3A_20 : memref<1x128xi32, #tpu.memory_space<vmem>> -> memref<128xi32, #tpu.memory_space<vmem>>
    %dma_start3A_22 = arith.constant 0 : i32
    %dma_start3A_23 = arith.constant 0 : i32
    %dma_start3A_24 = tpu.memref_slice %arg2[%dma_start3A_22, %dma_start3A_23] : memref<100000x128xf32, #tpu.memory_space<hbm>> -> memref<100000x128xf32, #tpu.memory_space<hbm>>
    tpu.enqueue_indirect_dma source(%dma_start3A_24 : memref<100000x128xf32, #tpu.memory_space<hbm>>) target(%arg8 : memref<128x128xf32, #tpu.memory_space<vmem>>) offsets(%dma_start3A_21 : memref<128xi32, #tpu.memory_space<vmem>>) semaphore(%arg10 : memref<!tpu.dma_semaphore, #tpu.memory_space<semaphore_mem>>)
    %dma_wait3A = arith.constant 0 : i32
    %dma_wait3A_25 = arith.constant 0 : i32
    %dma_wait3A_26 = tpu.memref_slice %arg14[%dma_wait3A, %dma_wait3A_25] : memref<1x128xi32, #tpu.memory_space<vmem>> -> memref<1x128xi32, #tpu.memory_space<vmem>>
    %dma_wait3A_27 = tpu.memref_squeeze %dma_wait3A_26 : memref<1x128xi32, #tpu.memory_space<vmem>> -> memref<128xi32, #tpu.memory_space<vmem>>
    %dma_wait3A_28 = arith.constant 0 : i32
    %dma_wait3A_29 = arith.constant 0 : i32
    %dma_wait3A_30 = tpu.memref_slice %arg2[%dma_wait3A_28, %dma_wait3A_29] : memref<100000x128xf32, #tpu.memory_space<hbm>> -> memref<100000x128xf32, #tpu.memory_space<hbm>>
    tpu.wait_indirect_dma semaphore(%arg10 : memref<!tpu.dma_semaphore, #tpu.memory_space<semaphore_mem>>) src(%dma_wait3A_30 : memref<100000x128xf32, #tpu.memory_space<hbm>>) dst(%arg8 : memref<128x128xf32, #tpu.memory_space<vmem>>)
    "tpu.region"() ({
      %run_scoped3A = tpu.sem_alloc : memref<!tpu.dma_semaphore, #tpu.memory_space<semaphore_mem>>
      %dma_start3A_31 = arith.constant 0 : i32
      %dma_start3A_32 = tpu.memref_slice %arg6[%mul3A_17, %dma_start3A_31] : memref<4096x128xf32, #tpu.memory_space<hbm>> -> memref<128x128xf32, #tpu.memory_space<hbm>>
      %dma_start3A_33 = arith.constant 0 : i32
      %dma_start3A_34 = tpu.memref_slice %arg6[%mul3A_17, %dma_start3A_33] : memref<4096x128xf32, #tpu.memory_space<hbm>> -> memref<128x128xf32, #tpu.memory_space<hbm>>
      tpu.enqueue_dma source(%arg8 : memref<128x128xf32, #tpu.memory_space<vmem>>) target(%dma_start3A_34 : memref<128x128xf32, #tpu.memory_space<hbm>>) target_semaphore(%run_scoped3A : memref<!tpu.dma_semaphore, #tpu.memory_space<semaphore_mem>>)
      %dma_wait3A_35 = arith.constant 0 : i32
      %dma_wait3A_36 = tpu.memref_slice %arg6[%mul3A_17, %dma_wait3A_35] : memref<4096x128xf32, #tpu.memory_space<hbm>> -> memref<128x128xf32, #tpu.memory_space<hbm>>
      %dma_wait3A_37 = arith.constant 0 : i32
      %dma_wait3A_38 = tpu.memref_slice %arg6[%mul3A_17, %dma_wait3A_37] : memref<4096x128xf32, #tpu.memory_space<hbm>> -> memref<128x128xf32, #tpu.memory_space<hbm>>
      tpu.wait_dma2 semaphore(%run_scoped3A : memref<!tpu.dma_semaphore, #tpu.memory_space<semaphore_mem>>) src(%arg8 : memref<128x128xf32, #tpu.memory_space<vmem>>) dst(%dma_wait3A_38 : memref<128x128xf32, #tpu.memory_space<hbm>>)
      tpu.yield
    }) : () -> ()
    return
  }
}

module attributes {stable_mosaic.version = 14 : i64} {
  func.func @_tc_body1(%arg0: i32, %arg1: memref<32x2xi32, #tpu.memory_space<smem>>, %arg2: memref<2048x128xf32, #tpu.memory_space<vmem>>, %arg3: memref<1x2x2048xi32, #tpu.memory_space<vmem>>, %arg4: memref<8x128xf32, #tpu.memory_space<vmem>>, %arg5: memref<128x128xf32, #tpu.memory_space<vmem>>, %arg6: memref<128x128xf32, #tpu.memory_space<vmem>>, %arg7: memref<1x128xf32, #tpu.memory_space<vmem>>, %arg8: memref<4224x128xf32, #tpu.memory_space<vmem>>, %arg9: memref<4224x8xf32, #tpu.memory_space<vmem>>, %arg10: memref<8x128xbf16, #tpu.memory_space<vmem>>, %arg11: memref<128x128xbf16, #tpu.memory_space<vmem>>) attributes {dimension_semantics = [#tpu.dimension_semantics<arbitrary>], iteration_bounds = array<i64: 32>, scalar_prefetch = 0 : i64, scratch_operands = 2 : i64, tpu.core_type = #tpu.core_type<tc>, window_params = [{transform_indices = @transform_0, window_bounds = array<i64: 32, 2>}, {transform_indices = @transform_1, window_bounds = array<i64: 2048, 128>}, {transform_indices = @transform_2, window_bounds = array<i64: 1, 2, 2048>}, {pipeline_mode = #tpu.pipeline_mode<synchronous>, transform_indices = @transform_3, window_bounds = array<i64: 8, 128>}, {pipeline_mode = #tpu.pipeline_mode<synchronous>, transform_indices = @transform_4, window_bounds = array<i64: 128, 128>}, {pipeline_mode = #tpu.pipeline_mode<synchronous>, transform_indices = @transform_5, window_bounds = array<i64: 128, 128>}, {pipeline_mode = #tpu.pipeline_mode<synchronous>, transform_indices = @transform_6, window_bounds = array<i64: 1, 128>}, {pipeline_mode = #tpu.pipeline_mode<synchronous>, transform_indices = @transform_7, window_bounds = array<i64: 4224, 128>}, {pipeline_mode = #tpu.pipeline_mode<synchronous>, transform_indices = @transform_8, window_bounds = array<i64: 4224, 8>}]} {
    %eq3A = arith.constant 0 : i32
    %eq3A_0 = arith.cmpi eq, %arg0, %eq3A : i32
    %convert_element_type3A = arith.extui %eq3A_0 : i1 to i32
    %cond3A = arith.constant 0 : i32
    %cond3A_1 = arith.cmpi ne, %convert_element_type3A, %cond3A : i32
    scf.if %cond3A_1 {
      %broadcast_in_dim3A_99 = arith.constant 0.000000e+00 : f32
      %broadcast_in_dim3A_100 = vector.broadcast %broadcast_in_dim3A_99 : f32 to vector<4224x128xf32>
      %swap3A = arith.constant 0 : index
      %swap3A_101 = arith.constant 0 : index
      %swap3A_102 = vector.load %arg8[%swap3A, %swap3A_101] : memref<4224x128xf32, #tpu.memory_space<vmem>>, vector<4224x128xf32>
      tpu.vector_store %arg8[%swap3A, %swap3A_101], %broadcast_in_dim3A_100 {strides = array<i32>} : memref<4224x128xf32, #tpu.memory_space<vmem>>, vector<4224x128xf32>,
      %broadcast_in_dim3A_103 = arith.constant 0.000000e+00 : f32
      %broadcast_in_dim3A_104 = vector.broadcast %broadcast_in_dim3A_103 : f32 to vector<4224x8xf32>
      %swap3A_105 = arith.constant 0 : index
      %swap3A_106 = arith.constant 0 : index
      %swap3A_107 = vector.load %arg9[%swap3A_105, %swap3A_106] : memref<4224x8xf32, #tpu.memory_space<vmem>>, vector<4224x8xf32>
      tpu.vector_store %arg9[%swap3A_105, %swap3A_106], %broadcast_in_dim3A_104 {strides = array<i32>} : memref<4224x8xf32, #tpu.memory_space<vmem>>, vector<4224x8xf32>,
    } else {
    }
    %eq3A_2 = arith.constant 0 : i32
    %eq3A_3 = arith.cmpi eq, %arg0, %eq3A_2 : i32
    %convert_element_type3A_4 = arith.extui %eq3A_3 : i1 to i32
    %cond3A_5 = arith.constant 0 : i32
    %cond3A_6 = arith.cmpi ne, %convert_element_type3A_4, %cond3A_5 : i32
    scf.if %cond3A_6 {
      %get3A_99 = arith.constant 0 : index
      %get3A_100 = arith.constant 0 : index
      %get3A_101 = vector.load %arg4[%get3A_99, %get3A_100] : memref<8x128xf32, #tpu.memory_space<vmem>>, vector<8x128xf32>
      %get3A_102 = arith.constant 0 : index
      %get3A_103 = arith.constant 0 : index
      %get3A_104 = vector.load %arg6[%get3A_102, %get3A_103] : memref<128x128xf32, #tpu.memory_space<vmem>>, vector<128x128xf32>
      %dot_general3A_105 = arith.constant dense<0.000000e+00> : vector<8x128xf32>
      %dot_general3A_106 = tpu.matmul %get3A_101, %get3A_104, %dot_general3A_105 {dimension_numbers = #tpu.dot_dimension_numbers<[1], [0], [0], [1], [0, 0, 1, 1], [], []>, transpose_lhs_hint = false} : vector<8x128xf32>, vector<128x128xf32>, vector<8x128xf32> -> vector<8x128xf32>
      %get3A_107 = arith.constant 0 : index
      %get3A_108 = arith.constant 0 : index
      %get3A_109 = vector.load %arg7[%get3A_107, %get3A_108] : memref<1x128xf32, #tpu.memory_space<vmem>>, vector<1x128xf32>
      %add3A_110 = vector.broadcast %get3A_109 : vector<1x128xf32> to vector<8x128xf32>
      %add3A_111 = arith.addf %dot_general3A_106, %add3A_110 : vector<8x128xf32>
      %convert_element_type3A_112 = arith.truncf %add3A_111 : vector<8x128xf32> to vector<8x128xbf16>
      %swap3A = arith.constant 0 : index
      %swap3A_113 = arith.constant 0 : index
      %swap3A_114 = vector.load %arg10[%swap3A, %swap3A_113] : memref<8x128xbf16, #tpu.memory_space<vmem>>, vector<8x128xbf16>
      tpu.vector_store %arg10[%swap3A, %swap3A_113], %convert_element_type3A_112 {strides = array<i32>} : memref<8x128xbf16, #tpu.memory_space<vmem>>, vector<8x128xbf16>,
      %get3A_115 = arith.constant 0 : index
      %get3A_116 = arith.constant 0 : index
      %get3A_117 = vector.load %arg5[%get3A_115, %get3A_116] : memref<128x128xf32, #tpu.memory_space<vmem>>, vector<128x128xf32>
      %convert_element_type3A_118 = arith.truncf %get3A_117 : vector<128x128xf32> to vector<128x128xbf16>
      %swap3A_119 = arith.constant 0 : index
      %swap3A_120 = arith.constant 0 : index
      %swap3A_121 = vector.load %arg11[%swap3A_119, %swap3A_120] : memref<128x128xbf16, #tpu.memory_space<vmem>>, vector<128x128xbf16>
      tpu.vector_store %arg11[%swap3A_119, %swap3A_120], %convert_element_type3A_118 {strides = array<i32>} : memref<128x128xbf16, #tpu.memory_space<vmem>>, vector<128x128xbf16>,
    } else {
    }
    %get3A = arith.constant 0 : index
    %get3A_7 = arith.constant 0 : index
    %get3A_8 = arith.constant 0 : index
    %get3A_9 = vector.load %arg3[%get3A, %get3A_7, %get3A_8] : memref<1x2x2048xi32, #tpu.memory_space<vmem>>, vector<1x1x2048xi32>
    %get3A_10 = vector.shape_cast %get3A_9 : vector<1x1x2048xi32> to vector<1x2048xi32>
    %get3A_11 = arith.constant 0 : index
    %get3A_12 = arith.constant 1 : index
    %get3A_13 = arith.constant 0 : index
    %get3A_14 = vector.load %arg3[%get3A_11, %get3A_12, %get3A_13] : memref<1x2x2048xi32, #tpu.memory_space<vmem>>, vector<1x1x2048xi32>
    %get3A_15 = vector.shape_cast %get3A_14 : vector<1x1x2048xi32> to vector<1x2048xi32>
    %get3A_16 = arith.index_cast %arg0 : i32 to index
    %get3A_17 = arith.constant 0 : index
    %get3A_18 = memref.load %arg1[%get3A_16, %get3A_17] : memref<32x2xi32, #tpu.memory_space<smem>>
    %get3A_19 = arith.index_cast %arg0 : i32 to index
    %get3A_20 = arith.constant 1 : index
    %get3A_21 = memref.load %arg1[%get3A_19, %get3A_20] : memref<32x2xi32, #tpu.memory_space<smem>>
    %jit3A = arith.constant 8 : i32
    %div3A = arith.divsi %get3A_18, %jit3A : i32
    %sign3A = arith.constant 0 : i32
    %sign3A_22 = arith.cmpi sgt, %get3A_18, %sign3A : i32
    %sign3A_23 = arith.extui %sign3A_22 : i1 to i32
    %sign3A_24 = arith.constant 0 : i32
    %sign3A_25 = arith.cmpi slt, %get3A_18, %sign3A_24 : i32
    %sign3A_26 = arith.extui %sign3A_25 : i1 to i32
    %sign3A_27 = arith.subi %sign3A_23, %sign3A_26 : i32
    %sign3A_28 = arith.constant 0 : i32
    %sign3A_29 = arith.cmpi sgt, %jit3A, %sign3A_28 : i32
    %sign3A_30 = arith.extui %sign3A_29 : i1 to i32
    %sign3A_31 = arith.constant 0 : i32
    %sign3A_32 = arith.cmpi slt, %jit3A, %sign3A_31 : i32
    %sign3A_33 = arith.extui %sign3A_32 : i1 to i32
    %sign3A_34 = arith.subi %sign3A_30, %sign3A_33 : i32
    %ne3A = arith.cmpi ne, %sign3A_27, %sign3A_34 : i32
    %rem3A = arith.remsi %get3A_18, %jit3A : i32
    %ne3A_35 = arith.constant 0 : i32
    %ne3A_36 = arith.cmpi ne, %rem3A, %ne3A_35 : i32
    %and3A = arith.andi %ne3A, %ne3A_36 : i1
    %sub3A = arith.constant 1 : i32
    %sub3A_37 = arith.subi %div3A, %sub3A : i32
    %select_n3A = arith.select %and3A, %sub3A_37, %div3A : i32
    %mul3A = arith.constant 8 : i32
    %mul3A_38 = arith.muli %select_n3A, %mul3A : i32
    %sub3A_39 = arith.subi %get3A_21, %mul3A_38 : i32
    %jit3A_40 = arith.constant 128 : i32
    %div3A_41 = arith.divsi %sub3A_39, %jit3A_40 : i32
    %sign3A_42 = arith.constant 0 : i32
    %sign3A_43 = arith.cmpi sgt, %sub3A_39, %sign3A_42 : i32
    %sign3A_44 = arith.extui %sign3A_43 : i1 to i32
    %sign3A_45 = arith.constant 0 : i32
    %sign3A_46 = arith.cmpi slt, %sub3A_39, %sign3A_45 : i32
    %sign3A_47 = arith.extui %sign3A_46 : i1 to i32
    %sign3A_48 = arith.subi %sign3A_44, %sign3A_47 : i32
    %sign3A_49 = arith.constant 0 : i32
    %sign3A_50 = arith.cmpi sgt, %jit3A_40, %sign3A_49 : i32
    %sign3A_51 = arith.extui %sign3A_50 : i1 to i32
    %sign3A_52 = arith.constant 0 : i32
    %sign3A_53 = arith.cmpi slt, %jit3A_40, %sign3A_52 : i32
    %sign3A_54 = arith.extui %sign3A_53 : i1 to i32
    %sign3A_55 = arith.subi %sign3A_51, %sign3A_54 : i32
    %ne3A_56 = arith.cmpi ne, %sign3A_48, %sign3A_55 : i32
    %rem3A_57 = arith.remsi %sub3A_39, %jit3A_40 : i32
    %ne3A_58 = arith.constant 0 : i32
    %ne3A_59 = arith.cmpi ne, %rem3A_57, %ne3A_58 : i32
    %and3A_60 = arith.andi %ne3A_56, %ne3A_59 : i1
    %sub3A_61 = arith.constant 1 : i32
    %sub3A_62 = arith.subi %div3A_41, %sub3A_61 : i32
    %select_n3A_63 = arith.select %and3A_60, %sub3A_62, %div3A_41 : i32
    %add3A = arith.constant 1 : i32
    %add3A_64 = arith.addi %select_n3A_63, %add3A : i32
    %get3A_65 = arith.constant 0 : index
    %get3A_66 = arith.constant 0 : index
    %get3A_67 = vector.load %arg10[%get3A_65, %get3A_66] : memref<8x128xbf16, #tpu.memory_space<vmem>>, vector<8x128xbf16>
    %get3A_68 = arith.constant 0 : index
    %get3A_69 = arith.constant 0 : index
    %get3A_70 = vector.load %arg11[%get3A_68, %get3A_69] : memref<128x128xbf16, #tpu.memory_space<vmem>>, vector<128x128xbf16>
    %iota3A = tpu.iota {dimensions = array<i32: 0>} : vector<128x1xi32>
    %iota3A_71 = tpu.iota {dimensions = array<i32: 0>} : vector<8x1xi32>
    %broadcast_in_dim3A = arith.constant 1.000000e+00 : bf16
    %broadcast_in_dim3A_72 = vector.broadcast %broadcast_in_dim3A : bf16 to vector<2048x8xbf16>
    %eq3A_73 = vector.broadcast %get3A_15 : vector<1x2048xi32> to vector<8x2048xi32>
    %eq3A_74 = vector.broadcast %iota3A_71 : vector<8x1xi32> to vector<8x2048xi32>
    %eq3A_75 = arith.cmpi eq, %eq3A_73, %eq3A_74 : vector<8x2048xi32>
    %convert_element_type3A_76 = arith.extui %eq3A_75 : vector<8x2048xi1> to vector<8x2048xi32>
    %convert_element_type3A_77 = arith.sitofp %convert_element_type3A_76 : vector<8x2048xi32> to vector<8x2048xf32>
    %convert_element_type3A_78 = arith.truncf %convert_element_type3A_77 : vector<8x2048xf32> to vector<8x2048xbf16>
    %dot_general3A = arith.constant dense<0.000000e+00> : vector<2048x128xf32>
    %dot_general3A_79 = tpu.matmul %convert_element_type3A_78, %get3A_67, %dot_general3A {dimension_numbers = #tpu.dot_dimension_numbers<[0], [0], [1], [1], [0, 1, 1, 1], [], []>, transpose_lhs_hint = false} : vector<8x2048xbf16>, vector<8x128xbf16>, vector<2048x128xf32> -> vector<2048x128xf32>
    %get3A_80 = arith.constant 0 : index
    %get3A_81 = arith.constant 0 : index
    %get3A_82 = vector.load %arg2[%get3A_80, %get3A_81] : memref<2048x128xf32, #tpu.memory_space<vmem>>, vector<2048x128xf32>
    %convert_element_type3A_83 = arith.truncf %get3A_82 : vector<2048x128xf32> to vector<2048x128xbf16>
    %dot_general3A_84 = arith.constant dense<0.000000e+00> : vector<2048x128xf32>
    %dot_general3A_85 = tpu.matmul %convert_element_type3A_83, %get3A_70, %dot_general3A_84 {dimension_numbers = #tpu.dot_dimension_numbers<[1], [0], [0], [1], [0, 0, 1, 1], [], []>, transpose_lhs_hint = false} : vector<2048x128xbf16>, vector<128x128xbf16>, vector<2048x128xf32> -> vector<2048x128xf32>
    %add3A_86 = arith.addf %dot_general3A_85, %dot_general3A_79 : vector<2048x128xf32>
    %max3A = arith.constant 0.000000e+00 : f32
    %max3A_87 = vector.broadcast %max3A : f32 to vector<2048x128xf32>
    %max3A_88 = arith.maximumf %add3A_86, %max3A_87 : vector<2048x128xf32>
    %convert_element_type3A_89 = arith.truncf %max3A_88 : vector<2048x128xf32> to vector<2048x128xbf16>
    %while3A = arith.constant 0 : i32
    %while3A_90 = arith.constant 0 : i32
    %while3A_91 = arith.subi %add3A_64, %while3A_90 : i32
    %while3A_92 = arith.addi %while3A_90, %while3A_91 : i32
    %while3A_93 = arith.constant 1 : i32
    %while3A_94 = arith.divsi %while3A_91, %while3A_93 : i32
    %while3A_95 = arith.muli %while3A_94, %while3A_93 : i32
    %while3A_96 = arith.addi %while3A_90, %while3A_95 : i32
    %while3A_97 = arith.constant 1 : i32
    scf.for %while3A_99 = %while3A_90 to %while3A_96 step %while3A_97  : i32 {
      %mul3A_100 = arith.constant 128 : i32
      %mul3A_101 = arith.muli %while3A_99, %mul3A_100 : i32
      %add3A_102 = arith.addi %mul3A_38, %mul3A_101 : i32
      %sub3A_103 = vector.broadcast %add3A_102 : i32 to vector<1x2048xi32>
      %sub3A_104 = arith.subi %get3A_10, %sub3A_103 : vector<1x2048xi32>
      %eq3A_105 = vector.broadcast %sub3A_104 : vector<1x2048xi32> to vector<128x2048xi32>
      %eq3A_106 = vector.broadcast %iota3A : vector<128x1xi32> to vector<128x2048xi32>
      %eq3A_107 = arith.cmpi eq, %eq3A_105, %eq3A_106 : vector<128x2048xi32>
      %convert_element_type3A_108 = arith.extui %eq3A_107 : vector<128x2048xi1> to vector<128x2048xi32>
      %convert_element_type3A_109 = arith.sitofp %convert_element_type3A_108 : vector<128x2048xi32> to vector<128x2048xf32>
      %convert_element_type3A_110 = arith.truncf %convert_element_type3A_109 : vector<128x2048xf32> to vector<128x2048xbf16>
      %dot_general3A_111 = arith.constant dense<0.000000e+00> : vector<128x128xf32>
      %dot_general3A_112 = tpu.matmul %convert_element_type3A_110, %convert_element_type3A_89, %dot_general3A_111 {dimension_numbers = #tpu.dot_dimension_numbers<[1], [0], [0], [1], [0, 0, 1, 1], [], []>, transpose_lhs_hint = false} : vector<128x2048xbf16>, vector<2048x128xbf16>, vector<128x128xf32> -> vector<128x128xf32>
      %dot_general3A_113 = arith.constant dense<0.000000e+00> : vector<128x8xf32>
      %dot_general3A_114 = tpu.matmul %convert_element_type3A_110, %broadcast_in_dim3A_72, %dot_general3A_113 {dimension_numbers = #tpu.dot_dimension_numbers<[1], [0], [0], [1], [0, 0, 1, 1], [], []>, transpose_lhs_hint = false} : vector<128x2048xbf16>, vector<2048x8xbf16>, vector<128x8xf32> -> vector<128x8xf32>
      %get3A_115 = arith.index_cast %add3A_102 : i32 to index
      %get3A_116 = arith.constant 0 : index
      %get3A_117 = vector.load %arg8[%get3A_115, %get3A_116] : memref<4224x128xf32, #tpu.memory_space<vmem>>, vector<128x128xf32>
      %add3A_118 = arith.addf %get3A_117, %dot_general3A_112 : vector<128x128xf32>
      %swap3A = arith.index_cast %add3A_102 : i32 to index
      %swap3A_119 = arith.constant 0 : index
      %swap3A_120 = vector.load %arg8[%swap3A, %swap3A_119] : memref<4224x128xf32, #tpu.memory_space<vmem>>, vector<128x128xf32>
      tpu.vector_store %arg8[%swap3A, %swap3A_119], %add3A_118 {strides = array<i32>} : memref<4224x128xf32, #tpu.memory_space<vmem>>, vector<128x128xf32>,
      %get3A_121 = arith.index_cast %add3A_102 : i32 to index
      %get3A_122 = arith.constant 0 : index
      %get3A_123 = vector.load %arg9[%get3A_121, %get3A_122] : memref<4224x8xf32, #tpu.memory_space<vmem>>, vector<128x8xf32>
      %add3A_124 = arith.addf %get3A_123, %dot_general3A_114 : vector<128x8xf32>
      %swap3A_125 = arith.index_cast %add3A_102 : i32 to index
      %swap3A_126 = arith.constant 0 : index
      %swap3A_127 = vector.load %arg9[%swap3A_125, %swap3A_126] : memref<4224x8xf32, #tpu.memory_space<vmem>>, vector<128x8xf32>
      tpu.vector_store %arg9[%swap3A_125, %swap3A_126], %add3A_124 {strides = array<i32>} : memref<4224x8xf32, #tpu.memory_space<vmem>>, vector<128x8xf32>,
    }
    %while3A_98 = arith.constant 1 : i32
    scf.for %while3A_99 = %while3A_96 to %while3A_92 step %while3A_98  : i32 {
      %mul3A_100 = arith.constant 128 : i32
      %mul3A_101 = arith.muli %while3A_99, %mul3A_100 : i32
      %add3A_102 = arith.addi %mul3A_38, %mul3A_101 : i32
      %sub3A_103 = vector.broadcast %add3A_102 : i32 to vector<1x2048xi32>
      %sub3A_104 = arith.subi %get3A_10, %sub3A_103 : vector<1x2048xi32>
      %eq3A_105 = vector.broadcast %sub3A_104 : vector<1x2048xi32> to vector<128x2048xi32>
      %eq3A_106 = vector.broadcast %iota3A : vector<128x1xi32> to vector<128x2048xi32>
      %eq3A_107 = arith.cmpi eq, %eq3A_105, %eq3A_106 : vector<128x2048xi32>
      %convert_element_type3A_108 = arith.extui %eq3A_107 : vector<128x2048xi1> to vector<128x2048xi32>
      %convert_element_type3A_109 = arith.sitofp %convert_element_type3A_108 : vector<128x2048xi32> to vector<128x2048xf32>
      %convert_element_type3A_110 = arith.truncf %convert_element_type3A_109 : vector<128x2048xf32> to vector<128x2048xbf16>
      %dot_general3A_111 = arith.constant dense<0.000000e+00> : vector<128x128xf32>
      %dot_general3A_112 = tpu.matmul %convert_element_type3A_110, %convert_element_type3A_89, %dot_general3A_111 {dimension_numbers = #tpu.dot_dimension_numbers<[1], [0], [0], [1], [0, 0, 1, 1], [], []>, transpose_lhs_hint = false} : vector<128x2048xbf16>, vector<2048x128xbf16>, vector<128x128xf32> -> vector<128x128xf32>
      %dot_general3A_113 = arith.constant dense<0.000000e+00> : vector<128x8xf32>
      %dot_general3A_114 = tpu.matmul %convert_element_type3A_110, %broadcast_in_dim3A_72, %dot_general3A_113 {dimension_numbers = #tpu.dot_dimension_numbers<[1], [0], [0], [1], [0, 0, 1, 1], [], []>, transpose_lhs_hint = false} : vector<128x2048xbf16>, vector<2048x8xbf16>, vector<128x8xf32> -> vector<128x8xf32>
      %get3A_115 = arith.index_cast %add3A_102 : i32 to index
      %get3A_116 = arith.constant 0 : index
      %get3A_117 = vector.load %arg8[%get3A_115, %get3A_116] : memref<4224x128xf32, #tpu.memory_space<vmem>>, vector<128x128xf32>
      %add3A_118 = arith.addf %get3A_117, %dot_general3A_112 : vector<128x128xf32>
      %swap3A = arith.index_cast %add3A_102 : i32 to index
      %swap3A_119 = arith.constant 0 : index
      %swap3A_120 = vector.load %arg8[%swap3A, %swap3A_119] : memref<4224x128xf32, #tpu.memory_space<vmem>>, vector<128x128xf32>
      tpu.vector_store %arg8[%swap3A, %swap3A_119], %add3A_118 {strides = array<i32>} : memref<4224x128xf32, #tpu.memory_space<vmem>>, vector<128x128xf32>,
      %get3A_121 = arith.index_cast %add3A_102 : i32 to index
      %get3A_122 = arith.constant 0 : index
      %get3A_123 = vector.load %arg9[%get3A_121, %get3A_122] : memref<4224x8xf32, #tpu.memory_space<vmem>>, vector<128x8xf32>
      %add3A_124 = arith.addf %get3A_123, %dot_general3A_114 : vector<128x8xf32>
      %swap3A_125 = arith.index_cast %add3A_102 : i32 to index
      %swap3A_126 = arith.constant 0 : index
      %swap3A_127 = vector.load %arg9[%swap3A_125, %swap3A_126] : memref<4224x8xf32, #tpu.memory_space<vmem>>, vector<128x8xf32>
      tpu.vector_store %arg9[%swap3A_125, %swap3A_126], %add3A_124 {strides = array<i32>} : memref<4224x8xf32, #tpu.memory_space<vmem>>, vector<128x8xf32>,
    }
    return
  }
  func.func @transform_0(%arg0: i32) -> (i32, i32) {
    %c0_i32 = arith.constant 0 : i32
    %c0_i32_0 = arith.constant 0 : i32
    %c0_i32_1 = arith.constant 0 : i32
    return %c0_i32, %c0_i32_0 : i32, i32
  }
  func.func @transform_1(%arg0: i32) -> (i32, i32) {
    %c0_i32 = arith.constant 0 : i32
    %c0_i32_0 = arith.constant 0 : i32
    return %arg0, %c0_i32 : i32, i32
  }
  func.func @transform_2(%arg0: i32) -> (i32, i32, i32) {
    %c0_i32 = arith.constant 0 : i32
    %c0_i32_0 = arith.constant 0 : i32
    %c0_i32_1 = arith.constant 0 : i32
    return %arg0, %c0_i32, %c0_i32_0 : i32, i32, i32
  }
  func.func @transform_3(%arg0: i32) -> (i32, i32) {
    %c0_i32 = arith.constant 0 : i32
    %c0_i32_0 = arith.constant 0 : i32
    %c0_i32_1 = arith.constant 0 : i32
    return %c0_i32, %c0_i32_0 : i32, i32
  }
  func.func @transform_4(%arg0: i32) -> (i32, i32) {
    %c0_i32 = arith.constant 0 : i32
    %c0_i32_0 = arith.constant 0 : i32
    %c0_i32_1 = arith.constant 0 : i32
    return %c0_i32, %c0_i32_0 : i32, i32
  }
  func.func @transform_5(%arg0: i32) -> (i32, i32) {
    %c0_i32 = arith.constant 0 : i32
    %c0_i32_0 = arith.constant 0 : i32
    %c0_i32_1 = arith.constant 0 : i32
    return %c0_i32, %c0_i32_0 : i32, i32
  }
  func.func @transform_6(%arg0: i32) -> (i32, i32) {
    %c0_i32 = arith.constant 0 : i32
    %c0_i32_0 = arith.constant 0 : i32
    %c0_i32_1 = arith.constant 0 : i32
    return %c0_i32, %c0_i32_0 : i32, i32
  }
  func.func @transform_7(%arg0: i32) -> (i32, i32) {
    %c0_i32 = arith.constant 0 : i32
    %c0_i32_0 = arith.constant 0 : i32
    %c0_i32_1 = arith.constant 0 : i32
    return %c0_i32, %c0_i32_0 : i32, i32
  }
  func.func @transform_8(%arg0: i32) -> (i32, i32) {
    %c0_i32 = arith.constant 0 : i32
    %c0_i32_0 = arith.constant 0 : i32
    %c0_i32_1 = arith.constant 0 : i32
    return %c0_i32, %c0_i32_0 : i32, i32
  }
}

module attributes {stable_mosaic.version = 14 : i64} {
  func.func @_tc_body2(%arg0: i32, %arg1: memref<32x2xi32, #tpu.memory_space<smem>>, %arg2: memref<2048x128xf32, #tpu.memory_space<vmem>>, %arg3: memref<1x2x2048xi32, #tpu.memory_space<vmem>>, %arg4: memref<8x128xf32, #tpu.memory_space<vmem>>, %arg5: memref<128x128xf32, #tpu.memory_space<vmem>>, %arg6: memref<128x128xf32, #tpu.memory_space<vmem>>, %arg7: memref<1x128xf32, #tpu.memory_space<vmem>>, %arg8: memref<4224x128xf32, #tpu.memory_space<vmem>>, %arg9: memref<4224x8xf32, #tpu.memory_space<vmem>>, %arg10: memref<4096x128xf32, #tpu.memory_space<vmem>>, %arg11: memref<128x128xf32, #tpu.memory_space<vmem>>, %arg12: memref<128x128xf32, #tpu.memory_space<vmem>>, %arg13: memref<1x128xf32, #tpu.memory_space<vmem>>, %arg14: memref<4096x128xf32, #tpu.memory_space<vmem>>, %arg15: memref<4224x128xf32, #tpu.memory_space<vmem>>, %arg16: memref<4224x8xf32, #tpu.memory_space<vmem>>, %arg17: memref<8x128xbf16, #tpu.memory_space<vmem>>, %arg18: memref<128x128xbf16, #tpu.memory_space<vmem>>) attributes {dimension_semantics = [#tpu.dimension_semantics<arbitrary>], iteration_bounds = array<i64: 32>, scalar_prefetch = 0 : i64, scratch_operands = 4 : i64, tpu.core_type = #tpu.core_type<tc>, window_params = [{transform_indices = @transform_0, window_bounds = array<i64: 32, 2>}, {transform_indices = @transform_1, window_bounds = array<i64: 2048, 128>}, {transform_indices = @transform_2, window_bounds = array<i64: 1, 2, 2048>}, {pipeline_mode = #tpu.pipeline_mode<synchronous>, transform_indices = @transform_3, window_bounds = array<i64: 8, 128>}, {pipeline_mode = #tpu.pipeline_mode<synchronous>, transform_indices = @transform_4, window_bounds = array<i64: 128, 128>}, {pipeline_mode = #tpu.pipeline_mode<synchronous>, transform_indices = @transform_5, window_bounds = array<i64: 128, 128>}, {pipeline_mode = #tpu.pipeline_mode<synchronous>, transform_indices = @transform_6, window_bounds = array<i64: 1, 128>}, {pipeline_mode = #tpu.pipeline_mode<synchronous>, transform_indices = @transform_7, window_bounds = array<i64: 4224, 128>}, {pipeline_mode = #tpu.pipeline_mode<synchronous>, transform_indices = @transform_8, window_bounds = array<i64: 4224, 8>}, {pipeline_mode = #tpu.pipeline_mode<synchronous>, transform_indices = @transform_9, window_bounds = array<i64: 4096, 128>}, {pipeline_mode = #tpu.pipeline_mode<synchronous>, transform_indices = @transform_10, window_bounds = array<i64: 128, 128>}, {pipeline_mode = #tpu.pipeline_mode<synchronous>, transform_indices = @transform_11, window_bounds = array<i64: 128, 128>}, {pipeline_mode = #tpu.pipeline_mode<synchronous>, transform_indices = @transform_12, window_bounds = array<i64: 1, 128>}, {pipeline_mode = #tpu.pipeline_mode<synchronous>, transform_indices = @transform_13, window_bounds = array<i64: 4096, 128>}]} {
    %eq3A = arith.constant 0 : i32
    %eq3A_0 = arith.cmpi eq, %arg0, %eq3A : i32
    %convert_element_type3A = arith.extui %eq3A_0 : i1 to i32
    %cond3A = arith.constant 0 : i32
    %cond3A_1 = arith.cmpi ne, %convert_element_type3A, %cond3A : i32
    scf.if %cond3A_1 {
      %get3A_104 = arith.constant 0 : index
      %get3A_105 = arith.constant 0 : index
      %get3A_106 = vector.load %arg8[%get3A_104, %get3A_105] : memref<4224x128xf32, #tpu.memory_space<vmem>>, vector<4224x128xf32>
      %swap3A = arith.constant 0 : index
      %swap3A_107 = arith.constant 0 : index
      %swap3A_108 = vector.load %arg15[%swap3A, %swap3A_107] : memref<4224x128xf32, #tpu.memory_space<vmem>>, vector<4224x128xf32>
      tpu.vector_store %arg15[%swap3A, %swap3A_107], %get3A_106 {strides = array<i32>} : memref<4224x128xf32, #tpu.memory_space<vmem>>, vector<4224x128xf32>,
      %get3A_109 = arith.constant 0 : index
      %get3A_110 = arith.constant 0 : index
      %get3A_111 = vector.load %arg9[%get3A_109, %get3A_110] : memref<4224x8xf32, #tpu.memory_space<vmem>>, vector<4224x8xf32>
      %swap3A_112 = arith.constant 0 : index
      %swap3A_113 = arith.constant 0 : index
      %swap3A_114 = vector.load %arg16[%swap3A_112, %swap3A_113] : memref<4224x8xf32, #tpu.memory_space<vmem>>, vector<4224x8xf32>
      tpu.vector_store %arg16[%swap3A_112, %swap3A_113], %get3A_111 {strides = array<i32>} : memref<4224x8xf32, #tpu.memory_space<vmem>>, vector<4224x8xf32>,
    } else {
    }
    %eq3A_2 = arith.constant 0 : i32
    %eq3A_3 = arith.cmpi eq, %arg0, %eq3A_2 : i32
    %convert_element_type3A_4 = arith.extui %eq3A_3 : i1 to i32
    %cond3A_5 = arith.constant 0 : i32
    %cond3A_6 = arith.cmpi ne, %convert_element_type3A_4, %cond3A_5 : i32
    scf.if %cond3A_6 {
      %get3A_104 = arith.constant 0 : index
      %get3A_105 = arith.constant 0 : index
      %get3A_106 = vector.load %arg4[%get3A_104, %get3A_105] : memref<8x128xf32, #tpu.memory_space<vmem>>, vector<8x128xf32>
      %get3A_107 = arith.constant 0 : index
      %get3A_108 = arith.constant 0 : index
      %get3A_109 = vector.load %arg6[%get3A_107, %get3A_108] : memref<128x128xf32, #tpu.memory_space<vmem>>, vector<128x128xf32>
      %dot_general3A_110 = arith.constant dense<0.000000e+00> : vector<8x128xf32>
      %dot_general3A_111 = tpu.matmul %get3A_106, %get3A_109, %dot_general3A_110 {dimension_numbers = #tpu.dot_dimension_numbers<[1], [0], [0], [1], [0, 0, 1, 1], [], []>, transpose_lhs_hint = false} : vector<8x128xf32>, vector<128x128xf32>, vector<8x128xf32> -> vector<8x128xf32>
      %get3A_112 = arith.constant 0 : index
      %get3A_113 = arith.constant 0 : index
      %get3A_114 = vector.load %arg7[%get3A_112, %get3A_113] : memref<1x128xf32, #tpu.memory_space<vmem>>, vector<1x128xf32>
      %add3A_115 = vector.broadcast %get3A_114 : vector<1x128xf32> to vector<8x128xf32>
      %add3A_116 = arith.addf %dot_general3A_111, %add3A_115 : vector<8x128xf32>
      %convert_element_type3A_117 = arith.truncf %add3A_116 : vector<8x128xf32> to vector<8x128xbf16>
      %swap3A = arith.constant 0 : index
      %swap3A_118 = arith.constant 0 : index
      %swap3A_119 = vector.load %arg17[%swap3A, %swap3A_118] : memref<8x128xbf16, #tpu.memory_space<vmem>>, vector<8x128xbf16>
      tpu.vector_store %arg17[%swap3A, %swap3A_118], %convert_element_type3A_117 {strides = array<i32>} : memref<8x128xbf16, #tpu.memory_space<vmem>>, vector<8x128xbf16>,
      %get3A_120 = arith.constant 0 : index
      %get3A_121 = arith.constant 0 : index
      %get3A_122 = vector.load %arg5[%get3A_120, %get3A_121] : memref<128x128xf32, #tpu.memory_space<vmem>>, vector<128x128xf32>
      %convert_element_type3A_123 = arith.truncf %get3A_122 : vector<128x128xf32> to vector<128x128xbf16>
      %swap3A_124 = arith.constant 0 : index
      %swap3A_125 = arith.constant 0 : index
      %swap3A_126 = vector.load %arg18[%swap3A_124, %swap3A_125] : memref<128x128xbf16, #tpu.memory_space<vmem>>, vector<128x128xbf16>
      tpu.vector_store %arg18[%swap3A_124, %swap3A_125], %convert_element_type3A_123 {strides = array<i32>} : memref<128x128xbf16, #tpu.memory_space<vmem>>, vector<128x128xbf16>,
    } else {
    }
    %get3A = arith.constant 0 : index
    %get3A_7 = arith.constant 0 : index
    %get3A_8 = arith.constant 0 : index
    %get3A_9 = vector.load %arg3[%get3A, %get3A_7, %get3A_8] : memref<1x2x2048xi32, #tpu.memory_space<vmem>>, vector<1x1x2048xi32>
    %get3A_10 = vector.shape_cast %get3A_9 : vector<1x1x2048xi32> to vector<1x2048xi32>
    %get3A_11 = arith.constant 0 : index
    %get3A_12 = arith.constant 1 : index
    %get3A_13 = arith.constant 0 : index
    %get3A_14 = vector.load %arg3[%get3A_11, %get3A_12, %get3A_13] : memref<1x2x2048xi32, #tpu.memory_space<vmem>>, vector<1x1x2048xi32>
    %get3A_15 = vector.shape_cast %get3A_14 : vector<1x1x2048xi32> to vector<1x2048xi32>
    %get3A_16 = arith.index_cast %arg0 : i32 to index
    %get3A_17 = arith.constant 0 : index
    %get3A_18 = memref.load %arg1[%get3A_16, %get3A_17] : memref<32x2xi32, #tpu.memory_space<smem>>
    %get3A_19 = arith.index_cast %arg0 : i32 to index
    %get3A_20 = arith.constant 1 : index
    %get3A_21 = memref.load %arg1[%get3A_19, %get3A_20] : memref<32x2xi32, #tpu.memory_space<smem>>
    %jit3A = arith.constant 8 : i32
    %div3A = arith.divsi %get3A_18, %jit3A : i32
    %sign3A = arith.constant 0 : i32
    %sign3A_22 = arith.cmpi sgt, %get3A_18, %sign3A : i32
    %sign3A_23 = arith.extui %sign3A_22 : i1 to i32
    %sign3A_24 = arith.constant 0 : i32
    %sign3A_25 = arith.cmpi slt, %get3A_18, %sign3A_24 : i32
    %sign3A_26 = arith.extui %sign3A_25 : i1 to i32
    %sign3A_27 = arith.subi %sign3A_23, %sign3A_26 : i32
    %sign3A_28 = arith.constant 0 : i32
    %sign3A_29 = arith.cmpi sgt, %jit3A, %sign3A_28 : i32
    %sign3A_30 = arith.extui %sign3A_29 : i1 to i32
    %sign3A_31 = arith.constant 0 : i32
    %sign3A_32 = arith.cmpi slt, %jit3A, %sign3A_31 : i32
    %sign3A_33 = arith.extui %sign3A_32 : i1 to i32
    %sign3A_34 = arith.subi %sign3A_30, %sign3A_33 : i32
    %ne3A = arith.cmpi ne, %sign3A_27, %sign3A_34 : i32
    %rem3A = arith.remsi %get3A_18, %jit3A : i32
    %ne3A_35 = arith.constant 0 : i32
    %ne3A_36 = arith.cmpi ne, %rem3A, %ne3A_35 : i32
    %and3A = arith.andi %ne3A, %ne3A_36 : i1
    %sub3A = arith.constant 1 : i32
    %sub3A_37 = arith.subi %div3A, %sub3A : i32
    %select_n3A = arith.select %and3A, %sub3A_37, %div3A : i32
    %mul3A = arith.constant 8 : i32
    %mul3A_38 = arith.muli %select_n3A, %mul3A : i32
    %sub3A_39 = arith.subi %get3A_21, %mul3A_38 : i32
    %jit3A_40 = arith.constant 128 : i32
    %div3A_41 = arith.divsi %sub3A_39, %jit3A_40 : i32
    %sign3A_42 = arith.constant 0 : i32
    %sign3A_43 = arith.cmpi sgt, %sub3A_39, %sign3A_42 : i32
    %sign3A_44 = arith.extui %sign3A_43 : i1 to i32
    %sign3A_45 = arith.constant 0 : i32
    %sign3A_46 = arith.cmpi slt, %sub3A_39, %sign3A_45 : i32
    %sign3A_47 = arith.extui %sign3A_46 : i1 to i32
    %sign3A_48 = arith.subi %sign3A_44, %sign3A_47 : i32
    %sign3A_49 = arith.constant 0 : i32
    %sign3A_50 = arith.cmpi sgt, %jit3A_40, %sign3A_49 : i32
    %sign3A_51 = arith.extui %sign3A_50 : i1 to i32
    %sign3A_52 = arith.constant 0 : i32
    %sign3A_53 = arith.cmpi slt, %jit3A_40, %sign3A_52 : i32
    %sign3A_54 = arith.extui %sign3A_53 : i1 to i32
    %sign3A_55 = arith.subi %sign3A_51, %sign3A_54 : i32
    %ne3A_56 = arith.cmpi ne, %sign3A_48, %sign3A_55 : i32
    %rem3A_57 = arith.remsi %sub3A_39, %jit3A_40 : i32
    %ne3A_58 = arith.constant 0 : i32
    %ne3A_59 = arith.cmpi ne, %rem3A_57, %ne3A_58 : i32
    %and3A_60 = arith.andi %ne3A_56, %ne3A_59 : i1
    %sub3A_61 = arith.constant 1 : i32
    %sub3A_62 = arith.subi %div3A_41, %sub3A_61 : i32
    %select_n3A_63 = arith.select %and3A_60, %sub3A_62, %div3A_41 : i32
    %add3A = arith.constant 1 : i32
    %add3A_64 = arith.addi %select_n3A_63, %add3A : i32
    %get3A_65 = arith.constant 0 : index
    %get3A_66 = arith.constant 0 : index
    %get3A_67 = vector.load %arg17[%get3A_65, %get3A_66] : memref<8x128xbf16, #tpu.memory_space<vmem>>, vector<8x128xbf16>
    %get3A_68 = arith.constant 0 : index
    %get3A_69 = arith.constant 0 : index
    %get3A_70 = vector.load %arg18[%get3A_68, %get3A_69] : memref<128x128xbf16, #tpu.memory_space<vmem>>, vector<128x128xbf16>
    %iota3A = tpu.iota {dimensions = array<i32: 0>} : vector<128x1xi32>
    %iota3A_71 = tpu.iota {dimensions = array<i32: 0>} : vector<8x1xi32>
    %broadcast_in_dim3A = arith.constant 1.000000e+00 : bf16
    %broadcast_in_dim3A_72 = vector.broadcast %broadcast_in_dim3A : bf16 to vector<2048x8xbf16>
    %eq3A_73 = vector.broadcast %get3A_15 : vector<1x2048xi32> to vector<8x2048xi32>
    %eq3A_74 = vector.broadcast %iota3A_71 : vector<8x1xi32> to vector<8x2048xi32>
    %eq3A_75 = arith.cmpi eq, %eq3A_73, %eq3A_74 : vector<8x2048xi32>
    %convert_element_type3A_76 = arith.extui %eq3A_75 : vector<8x2048xi1> to vector<8x2048xi32>
    %convert_element_type3A_77 = arith.sitofp %convert_element_type3A_76 : vector<8x2048xi32> to vector<8x2048xf32>
    %convert_element_type3A_78 = arith.truncf %convert_element_type3A_77 : vector<8x2048xf32> to vector<8x2048xbf16>
    %dot_general3A = arith.constant dense<0.000000e+00> : vector<2048x128xf32>
    %dot_general3A_79 = tpu.matmul %convert_element_type3A_78, %get3A_67, %dot_general3A {dimension_numbers = #tpu.dot_dimension_numbers<[0], [0], [1], [1], [0, 1, 1, 1], [], []>, transpose_lhs_hint = false} : vector<8x2048xbf16>, vector<8x128xbf16>, vector<2048x128xf32> -> vector<2048x128xf32>
    %get3A_80 = arith.constant 0 : index
    %get3A_81 = arith.constant 0 : index
    %get3A_82 = vector.load %arg2[%get3A_80, %get3A_81] : memref<2048x128xf32, #tpu.memory_space<vmem>>, vector<2048x128xf32>
    %convert_element_type3A_83 = arith.truncf %get3A_82 : vector<2048x128xf32> to vector<2048x128xbf16>
    %dot_general3A_84 = arith.constant dense<0.000000e+00> : vector<2048x128xf32>
    %dot_general3A_85 = tpu.matmul %convert_element_type3A_83, %get3A_70, %dot_general3A_84 {dimension_numbers = #tpu.dot_dimension_numbers<[1], [0], [0], [1], [0, 0, 1, 1], [], []>, transpose_lhs_hint = false} : vector<2048x128xbf16>, vector<128x128xbf16>, vector<2048x128xf32> -> vector<2048x128xf32>
    %add3A_86 = arith.addf %dot_general3A_85, %dot_general3A_79 : vector<2048x128xf32>
    %max3A = arith.constant 0.000000e+00 : f32
    %max3A_87 = vector.broadcast %max3A : f32 to vector<2048x128xf32>
    %max3A_88 = arith.maximumf %add3A_86, %max3A_87 : vector<2048x128xf32>
    %convert_element_type3A_89 = arith.truncf %max3A_88 : vector<2048x128xf32> to vector<2048x128xbf16>
    %while3A = arith.constant 0 : i32
    %while3A_90 = arith.constant 0 : i32
    %while3A_91 = arith.subi %add3A_64, %while3A_90 : i32
    %while3A_92 = arith.addi %while3A_90, %while3A_91 : i32
    %while3A_93 = arith.constant 1 : i32
    %while3A_94 = arith.divsi %while3A_91, %while3A_93 : i32
    %while3A_95 = arith.muli %while3A_94, %while3A_93 : i32
    %while3A_96 = arith.addi %while3A_90, %while3A_95 : i32
    %while3A_97 = arith.constant 1 : i32
    scf.for %while3A_104 = %while3A_90 to %while3A_96 step %while3A_97  : i32 {
      %mul3A_105 = arith.constant 128 : i32
      %mul3A_106 = arith.muli %while3A_104, %mul3A_105 : i32
      %add3A_107 = arith.addi %mul3A_38, %mul3A_106 : i32
      %sub3A_108 = vector.broadcast %add3A_107 : i32 to vector<1x2048xi32>
      %sub3A_109 = arith.subi %get3A_10, %sub3A_108 : vector<1x2048xi32>
      %eq3A_110 = vector.broadcast %sub3A_109 : vector<1x2048xi32> to vector<128x2048xi32>
      %eq3A_111 = vector.broadcast %iota3A : vector<128x1xi32> to vector<128x2048xi32>
      %eq3A_112 = arith.cmpi eq, %eq3A_110, %eq3A_111 : vector<128x2048xi32>
      %convert_element_type3A_113 = arith.extui %eq3A_112 : vector<128x2048xi1> to vector<128x2048xi32>
      %convert_element_type3A_114 = arith.sitofp %convert_element_type3A_113 : vector<128x2048xi32> to vector<128x2048xf32>
      %convert_element_type3A_115 = arith.truncf %convert_element_type3A_114 : vector<128x2048xf32> to vector<128x2048xbf16>
      %dot_general3A_116 = arith.constant dense<0.000000e+00> : vector<128x128xf32>
      %dot_general3A_117 = tpu.matmul %convert_element_type3A_115, %convert_element_type3A_89, %dot_general3A_116 {dimension_numbers = #tpu.dot_dimension_numbers<[1], [0], [0], [1], [0, 0, 1, 1], [], []>, transpose_lhs_hint = false} : vector<128x2048xbf16>, vector<2048x128xbf16>, vector<128x128xf32> -> vector<128x128xf32>
      %dot_general3A_118 = arith.constant dense<0.000000e+00> : vector<128x8xf32>
      %dot_general3A_119 = tpu.matmul %convert_element_type3A_115, %broadcast_in_dim3A_72, %dot_general3A_118 {dimension_numbers = #tpu.dot_dimension_numbers<[1], [0], [0], [1], [0, 0, 1, 1], [], []>, transpose_lhs_hint = false} : vector<128x2048xbf16>, vector<2048x8xbf16>, vector<128x8xf32> -> vector<128x8xf32>
      %get3A_120 = arith.index_cast %add3A_107 : i32 to index
      %get3A_121 = arith.constant 0 : index
      %get3A_122 = vector.load %arg15[%get3A_120, %get3A_121] : memref<4224x128xf32, #tpu.memory_space<vmem>>, vector<128x128xf32>
      %add3A_123 = arith.addf %get3A_122, %dot_general3A_117 : vector<128x128xf32>
      %swap3A = arith.index_cast %add3A_107 : i32 to index
      %swap3A_124 = arith.constant 0 : index
      %swap3A_125 = vector.load %arg15[%swap3A, %swap3A_124] : memref<4224x128xf32, #tpu.memory_space<vmem>>, vector<128x128xf32>
      tpu.vector_store %arg15[%swap3A, %swap3A_124], %add3A_123 {strides = array<i32>} : memref<4224x128xf32, #tpu.memory_space<vmem>>, vector<128x128xf32>,
      %get3A_126 = arith.index_cast %add3A_107 : i32 to index
      %get3A_127 = arith.constant 0 : index
      %get3A_128 = vector.load %arg16[%get3A_126, %get3A_127] : memref<4224x8xf32, #tpu.memory_space<vmem>>, vector<128x8xf32>
      %add3A_129 = arith.addf %get3A_128, %dot_general3A_119 : vector<128x8xf32>
      %swap3A_130 = arith.index_cast %add3A_107 : i32 to index
      %swap3A_131 = arith.constant 0 : index
      %swap3A_132 = vector.load %arg16[%swap3A_130, %swap3A_131] : memref<4224x8xf32, #tpu.memory_space<vmem>>, vector<128x8xf32>
      tpu.vector_store %arg16[%swap3A_130, %swap3A_131], %add3A_129 {strides = array<i32>} : memref<4224x8xf32, #tpu.memory_space<vmem>>, vector<128x8xf32>,
    }
    %while3A_98 = arith.constant 1 : i32
    scf.for %while3A_104 = %while3A_96 to %while3A_92 step %while3A_98  : i32 {
      %mul3A_105 = arith.constant 128 : i32
      %mul3A_106 = arith.muli %while3A_104, %mul3A_105 : i32
      %add3A_107 = arith.addi %mul3A_38, %mul3A_106 : i32
      %sub3A_108 = vector.broadcast %add3A_107 : i32 to vector<1x2048xi32>
      %sub3A_109 = arith.subi %get3A_10, %sub3A_108 : vector<1x2048xi32>
      %eq3A_110 = vector.broadcast %sub3A_109 : vector<1x2048xi32> to vector<128x2048xi32>
      %eq3A_111 = vector.broadcast %iota3A : vector<128x1xi32> to vector<128x2048xi32>
      %eq3A_112 = arith.cmpi eq, %eq3A_110, %eq3A_111 : vector<128x2048xi32>
      %convert_element_type3A_113 = arith.extui %eq3A_112 : vector<128x2048xi1> to vector<128x2048xi32>
      %convert_element_type3A_114 = arith.sitofp %convert_element_type3A_113 : vector<128x2048xi32> to vector<128x2048xf32>
      %convert_element_type3A_115 = arith.truncf %convert_element_type3A_114 : vector<128x2048xf32> to vector<128x2048xbf16>
      %dot_general3A_116 = arith.constant dense<0.000000e+00> : vector<128x128xf32>
      %dot_general3A_117 = tpu.matmul %convert_element_type3A_115, %convert_element_type3A_89, %dot_general3A_116 {dimension_numbers = #tpu.dot_dimension_numbers<[1], [0], [0], [1], [0, 0, 1, 1], [], []>, transpose_lhs_hint = false} : vector<128x2048xbf16>, vector<2048x128xbf16>, vector<128x128xf32> -> vector<128x128xf32>
      %dot_general3A_118 = arith.constant dense<0.000000e+00> : vector<128x8xf32>
      %dot_general3A_119 = tpu.matmul %convert_element_type3A_115, %broadcast_in_dim3A_72, %dot_general3A_118 {dimension_numbers = #tpu.dot_dimension_numbers<[1], [0], [0], [1], [0, 0, 1, 1], [], []>, transpose_lhs_hint = false} : vector<128x2048xbf16>, vector<2048x8xbf16>, vector<128x8xf32> -> vector<128x8xf32>
      %get3A_120 = arith.index_cast %add3A_107 : i32 to index
      %get3A_121 = arith.constant 0 : index
      %get3A_122 = vector.load %arg15[%get3A_120, %get3A_121] : memref<4224x128xf32, #tpu.memory_space<vmem>>, vector<128x128xf32>
      %add3A_123 = arith.addf %get3A_122, %dot_general3A_117 : vector<128x128xf32>
      %swap3A = arith.index_cast %add3A_107 : i32 to index
      %swap3A_124 = arith.constant 0 : index
      %swap3A_125 = vector.load %arg15[%swap3A, %swap3A_124] : memref<4224x128xf32, #tpu.memory_space<vmem>>, vector<128x128xf32>
      tpu.vector_store %arg15[%swap3A, %swap3A_124], %add3A_123 {strides = array<i32>} : memref<4224x128xf32, #tpu.memory_space<vmem>>, vector<128x128xf32>,
      %get3A_126 = arith.index_cast %add3A_107 : i32 to index
      %get3A_127 = arith.constant 0 : index
      %get3A_128 = vector.load %arg16[%get3A_126, %get3A_127] : memref<4224x8xf32, #tpu.memory_space<vmem>>, vector<128x8xf32>
      %add3A_129 = arith.addf %get3A_128, %dot_general3A_119 : vector<128x8xf32>
      %swap3A_130 = arith.index_cast %add3A_107 : i32 to index
      %swap3A_131 = arith.constant 0 : index
      %swap3A_132 = vector.load %arg16[%swap3A_130, %swap3A_131] : memref<4224x8xf32, #tpu.memory_space<vmem>>, vector<128x8xf32>
      tpu.vector_store %arg16[%swap3A_130, %swap3A_131], %add3A_129 {strides = array<i32>} : memref<4224x8xf32, #tpu.memory_space<vmem>>, vector<128x8xf32>,
    }
    %eq3A_99 = arith.constant 31 : i32
    %eq3A_100 = arith.cmpi eq, %arg0, %eq3A_99 : i32
    %convert_element_type3A_101 = arith.extui %eq3A_100 : i1 to i32
    %cond3A_102 = arith.constant 0 : i32
    %cond3A_103 = arith.cmpi ne, %convert_element_type3A_101, %cond3A_102 : i32
    scf.if %cond3A_103 {
      %get3A_104 = arith.constant 0 : index
      %get3A_105 = arith.constant 0 : index
      %get3A_106 = vector.load %arg15[%get3A_104, %get3A_105] : memref<4224x128xf32, #tpu.memory_space<vmem>>, vector<4096x128xf32>
      %get3A_107 = arith.constant 0 : index
      %get3A_108 = arith.constant 0 : index
      %get3A_109 = vector.load %arg16[%get3A_107, %get3A_108] : memref<4224x8xf32, #tpu.memory_space<vmem>>, vector<4096x1xf32>
      %max3A_110 = arith.constant 1.000000e+00 : f32
      %max3A_111 = vector.broadcast %max3A_110 : f32 to vector<4096x1xf32>
      %max3A_112 = arith.maximumf %get3A_109, %max3A_111 : vector<4096x1xf32>
      %div3A_113 = vector.broadcast %max3A_112 : vector<4096x1xf32> to vector<4096x128xf32>
      %div3A_114 = arith.divf %get3A_106, %div3A_113 : vector<4096x128xf32>
      %get3A_115 = arith.constant 0 : index
      %get3A_116 = arith.constant 0 : index
      %get3A_117 = vector.load %arg10[%get3A_115, %get3A_116] : memref<4096x128xf32, #tpu.memory_space<vmem>>, vector<4096x128xf32>
      %get3A_118 = arith.constant 0 : index
      %get3A_119 = arith.constant 0 : index
      %get3A_120 = vector.load %arg11[%get3A_118, %get3A_119] : memref<128x128xf32, #tpu.memory_space<vmem>>, vector<128x128xf32>
      %dot_general3A_121 = arith.constant dense<0.000000e+00> : vector<4096x128xf32>
      %dot_general3A_122 = tpu.matmul %get3A_117, %get3A_120, %dot_general3A_121 {dimension_numbers = #tpu.dot_dimension_numbers<[1], [0], [0], [1], [0, 0, 1, 1], [], []>, transpose_lhs_hint = false} : vector<4096x128xf32>, vector<128x128xf32>, vector<4096x128xf32> -> vector<4096x128xf32>
      %get3A_123 = arith.constant 0 : index
      %get3A_124 = arith.constant 0 : index
      %get3A_125 = vector.load %arg12[%get3A_123, %get3A_124] : memref<128x128xf32, #tpu.memory_space<vmem>>, vector<128x128xf32>
      %dot_general3A_126 = arith.constant dense<0.000000e+00> : vector<4096x128xf32>
      %dot_general3A_127 = tpu.matmul %div3A_114, %get3A_125, %dot_general3A_126 {dimension_numbers = #tpu.dot_dimension_numbers<[1], [0], [0], [1], [0, 0, 1, 1], [], []>, transpose_lhs_hint = false} : vector<4096x128xf32>, vector<128x128xf32>, vector<4096x128xf32> -> vector<4096x128xf32>
      %add3A_128 = arith.addf %dot_general3A_122, %dot_general3A_127 : vector<4096x128xf32>
      %get3A_129 = arith.constant 0 : index
      %get3A_130 = arith.constant 0 : index
      %get3A_131 = vector.load %arg13[%get3A_129, %get3A_130] : memref<1x128xf32, #tpu.memory_space<vmem>>, vector<1x128xf32>
      %add3A_132 = vector.broadcast %get3A_131 : vector<1x128xf32> to vector<4096x128xf32>
      %add3A_133 = arith.addf %add3A_128, %add3A_132 : vector<4096x128xf32>
      %max3A_134 = arith.constant 0.000000e+00 : f32
      %max3A_135 = vector.broadcast %max3A_134 : f32 to vector<4096x128xf32>
      %max3A_136 = arith.maximumf %add3A_133, %max3A_135 : vector<4096x128xf32>
      %swap3A = arith.constant 0 : index
      %swap3A_137 = arith.constant 0 : index
      %swap3A_138 = vector.load %arg14[%swap3A, %swap3A_137] : memref<4096x128xf32, #tpu.memory_space<vmem>>, vector<4096x128xf32>
      tpu.vector_store %arg14[%swap3A, %swap3A_137], %max3A_136 {strides = array<i32>} : memref<4096x128xf32, #tpu.memory_space<vmem>>, vector<4096x128xf32>,
    } else {
    }
    return
  }
  func.func @transform_0(%arg0: i32) -> (i32, i32) {
    %c0_i32 = arith.constant 0 : i32
    %c0_i32_0 = arith.constant 0 : i32
    %c0_i32_1 = arith.constant 0 : i32
    return %c0_i32, %c0_i32_0 : i32, i32
  }
  func.func @transform_1(%arg0: i32) -> (i32, i32) {
    %c0_i32 = arith.constant 0 : i32
    %c0_i32_0 = arith.constant 0 : i32
    return %arg0, %c0_i32 : i32, i32
  }
  func.func @transform_2(%arg0: i32) -> (i32, i32, i32) {
    %c0_i32 = arith.constant 0 : i32
    %c0_i32_0 = arith.constant 0 : i32
    %c0_i32_1 = arith.constant 0 : i32
    return %arg0, %c0_i32, %c0_i32_0 : i32, i32, i32
  }
  func.func @transform_3(%arg0: i32) -> (i32, i32) {
    %c0_i32 = arith.constant 0 : i32
    %c0_i32_0 = arith.constant 0 : i32
    %c0_i32_1 = arith.constant 0 : i32
    return %c0_i32, %c0_i32_0 : i32, i32
  }
  func.func @transform_4(%arg0: i32) -> (i32, i32) {
    %c0_i32 = arith.constant 0 : i32
    %c0_i32_0 = arith.constant 0 : i32
    %c0_i32_1 = arith.constant 0 : i32
    return %c0_i32, %c0_i32_0 : i32, i32
  }
  func.func @transform_5(%arg0: i32) -> (i32, i32) {
    %c0_i32 = arith.constant 0 : i32
    %c0_i32_0 = arith.constant 0 : i32
    %c0_i32_1 = arith.constant 0 : i32
    return %c0_i32, %c0_i32_0 : i32, i32
  }
  func.func @transform_6(%arg0: i32) -> (i32, i32) {
    %c0_i32 = arith.constant 0 : i32
    %c0_i32_0 = arith.constant 0 : i32
    %c0_i32_1 = arith.constant 0 : i32
    return %c0_i32, %c0_i32_0 : i32, i32
  }
  func.func @transform_7(%arg0: i32) -> (i32, i32) {
    %c0_i32 = arith.constant 0 : i32
    %c0_i32_0 = arith.constant 0 : i32
    %c0_i32_1 = arith.constant 0 : i32
    return %c0_i32, %c0_i32_0 : i32, i32
  }
  func.func @transform_8(%arg0: i32) -> (i32, i32) {
    %c0_i32 = arith.constant 0 : i32
    %c0_i32_0 = arith.constant 0 : i32
    %c0_i32_1 = arith.constant 0 : i32
    return %c0_i32, %c0_i32_0 : i32, i32
  }
  func.func @transform_9(%arg0: i32) -> (i32, i32) {
    %c0_i32 = arith.constant 0 : i32
    %c0_i32_0 = arith.constant 0 : i32
    %c0_i32_1 = arith.constant 0 : i32
    return %c0_i32, %c0_i32_0 : i32, i32
  }
  func.func @transform_10(%arg0: i32) -> (i32, i32) {
    %c0_i32 = arith.constant 0 : i32
    %c0_i32_0 = arith.constant 0 : i32
    %c0_i32_1 = arith.constant 0 : i32
    return %c0_i32, %c0_i32_0 : i32, i32
  }
  func.func @transform_11(%arg0: i32) -> (i32, i32) {
    %c0_i32 = arith.constant 0 : i32
    %c0_i32_0 = arith.constant 0 : i32
    %c0_i32_1 = arith.constant 0 : i32
    return %c0_i32, %c0_i32_0 : i32, i32
  }
  func.func @transform_12(%arg0: i32) -> (i32, i32) {
    %c0_i32 = arith.constant 0 : i32
    %c0_i32_0 = arith.constant 0 : i32
    %c0_i32_1 = arith.constant 0 : i32
    return %c0_i32, %c0_i32_0 : i32, i32
  }
  func.func @transform_13(%arg0: i32) -> (i32, i32) {
    %c0_i32 = arith.constant 0 : i32
    %c0_i32_0 = arith.constant 0 : i32
    %c0_i32_1 = arith.constant 0 : i32
    return %c0_i32, %c0_i32_0 : i32, i32
  }
}

</mosaic_0001>

<sc_bundles>
// kernel: kernel.6.cloned.1.call-start
scs
__scs_entry_jumppad:
0x0: {  	(pc) =	sbr.rel $0x88, $3  }
0x1: {  	(tag) =	ssettag $0x0;
	lr =	simm.s32 $0x1  }
0x2: {  	[smem:$0x3F97] =	sst lr;
	_ =	strace $0xD0000000  }
0x3: {  	_ = 	snop  }
0x4: {  	_ = 	snop  }
0x5: {  	_ = 	snop  }
0x6: {  	_ = 	snop  }
0x7: {  	_ = 	snop  }
__scs_overlays_trampoline_lowered:
0x8: {  	[smem:$0x3FA6] =	sst s0  }
0x9: {  	[smem:$0x3FA7] =	sst s1  }
0xa: {  	[smem:$0x3FA8] =	sst s2  }
0xb: {  	[smem:$0x3FA9] =	sst s3  }
0xc: {  	[smem:$0x3FAA] =	sst s4  }
0xd: {  	[smem:$0x3FAB] =	sst s5  }
0xe: {  	[smem:$0x3FAC] =	sst s6  }
0xf: {  	[smem:$0x3FAD] =	sst s7  }
0x10: {  	[smem:$0x3FAE] =	sst s8  }
0x11: {  	[smem:$0x3FAF] =	sst s9;
	s0 =	simm.s32 @!p0 $0x0  }
0x12: {  	s1 =	sld [smem:$0x3F95];
	s0 =	simm.s32 @p0 $0x1  }
0x13: {  	[smem:$0x3FB0] =	sst s0;
	s0 =	simm.s32 @!p1 $0x0  }
0x14: {  	s2 =	sld [smem:$0x3F94];
	s0 =	simm.s32 @p1 $0x1  }
0x15: {  	[smem:$0x3FB1] =	sst s0;
	s0 =	simm.s32 @!p2 $0x0  }
0x16: {  	s3 =	sld [smem:$0x3FDB];
	s0 =	simm.s32 @p2 $0x1  }
0x17: {  	s4 =	simm.s32 $0x1BF5;
	[smem:$0x3FB3] =	sst s0  }
0x18: {  	s0 =	sld [smem:$0x3F96];
	_ =	swait.ge [sflag:s4], $0x0  }
0x19: {  	s7 =	sld [smem:$0x3F97]  }
0x1a: {  	s8 =	sadd.s32 $0xFFFFE003, lr  }
0x1b: {  	s9 =	sadd.s32 $0xFFFFFEF7, lr;
	s5 =	simm.s32 $0xFFFFFFFF;
	p2 =	slt.u32 s8, $0xFFFFF086  }
0x1c: {  	p1 =	slt.u32 s9, $0xF7A;
	s5 =	simm.s32 @!p2 $0x0  }
0x1d: {  	s5 =	simm.s32 @p1 $0x1;
	p0 =	seq.s32 s7, s2  }
0x1e: {  	s7 =	smul.u32 @!p0 $0xF7A, s2;
	p2 =	seq.s32 @!p0 s5, $0x0  }
0x1f: {  	s9 =	smul.u32 $0xF7A, s1;
	s8 =	simm.s32 @!p0 $0x1BF5;
	p2 =	por !p2, p0  }
0x20: {  	[sflag:s8] =	ssyncset.s32 @!p0 $0xFFFFF086;
	s6 =	sadd.s32 @!p0 s3, s7;
	s7 =	simm.s32 @!p0 $0x108  }
0x21: {  	s3 =	sadd.s32 s3, s9;
	s6 =	sadd.s32 @!p0 $0x88, s6;
	s7 =	simm.s32 @p2 $0x1082  }
0x22: {  	[simem:s7], [sflag:s8] =	dma.local @!p0 [hbm:s6], $0xF7A  }
0x23: {  	s9 =	sor.u32 $0xD0000000, s2;
	s6 =	simm.s32 $0x108;
	_ =	swait.ge @!p0 [sflag:s8], $0x0  }
0x24: {  	s3 =	sadd.s32 $0x88, s3;
	s6 =	simm.s32 @!p1 $0x1082;
	[sflag:s4] =	ssyncset.s32 $0xFFFFF086  }
0x25: {  	[simem:s6], [sflag:s4] =	dma.local [hbm:s3], $0xF7A  }
0x26: {  	[smem:$0x3F97] =	sst s1;
	(tag) =	ssettag s2;
	_ =	strace s9  }
0x27: {  	s1 =	sld [smem:$0x3FA7]  }
0x28: {  	s2 =	sld [smem:$0x3FA8]  }
0x29: {  	s4 =	sld [smem:$0x3FAA]  }
0x2a: {  	p0 =	seq.s32 s5, $0x0;
	s5 =	sld [smem:$0x3FAB]  }
0x2b: {  	s6 =	sld [smem:$0x3FAC]  }
0x2c: {  	s7 =	sld [smem:$0x3FAD]  }
0x2d: {  	s3 =	simm.s32 $0x108;
	s8 =	sld [smem:$0x3FAE]  }
0x2e: {  	s3 =	simm.s32 @!p0 $0x1082;
	s9 =	sld [smem:$0x3FAF]  }
0x2f: {  	lr =	sadd.s32 s0, s3;
	s0 =	sld [smem:$0x3FA6]  }
0x30: {  	s3 =	sld [smem:$0x3FA9]  }
0x31: {  	[smem:$0x3FB2] =	sst s10  }
0x32: {  	s10 =	sld [smem:$0x3FB0];
	_ =	sdelay $0x3  }
0x33: {  	p0 =	seq.s32 s10, $0x1;
	s10 =	sld [smem:$0x3FB2];
	_ =	sdelay $0x3  }
0x34: {  	[smem:$0x3FB2] =	sst s10  }
0x35: {  	s10 =	sld [smem:$0x3FB1];
	_ =	sdelay $0x3  }
0x36: {  	p1 =	seq.s32 s10, $0x1;
	s10 =	sld [smem:$0x3FB2];
	_ =	sdelay $0x3  }
0x37: {  	[smem:$0x3FB2] =	sst s10  }
0x38: {  	s10 =	sld [smem:$0x3FB3]  }
0x39: {  	_ = 	snop;
	(pc) =	sbr.ind lr, $3  }
0x3a: {  	_ = 	snop  }
0x3b: {  	_ = 	snop  }
0x3c: {  	p2 =	seq.s32 s10, $0x1;
	s10 =	sld [smem:$0x3FB2]  }
0x3d: {  	_ =	shalt  }
0x3e: {  	_ =	shalt  }
0x3f: {  	_ =	shalt  }
0x40: {  	_ =	shalt  }
0x41: {  	_ =	shalt  }
0x42: {  	_ =	shalt  }
0x43: {  	_ =	shalt  }
0x44: {  	_ =	shalt  }
0x45: {  	_ =	shalt  }
0x46: {  	_ =	shalt  }
0x47: {  	_ =	shalt  }
0x48: {  	_ =	shalt  }
0x49: {  	_ =	shalt  }
0x4a: {  	_ =	shalt  }
0x4b: {  	_ =	shalt  }
0x4c: {  	_ =	shalt  }
0x4d: {  	_ =	shalt  }
0x4e: {  	_ =	shalt  }
0x4f: {  	_ =	shalt  }
0x50: {  	_ =	shalt  }
0x51: {  	_ =	shalt  }
0x52: {  	_ =	shalt  }
0x53: {  	_ =	shalt  }
0x54: {  	_ =	shalt  }
0x55: {  	_ =	shalt  }
0x56: {  	_ =	shalt  }
0x57: {  	_ =	shalt  }
0x58: {  	_ =	shalt  }
0x59: {  	_ =	shalt  }
0x5a: {  	_ =	shalt  }
0x5b: {  	_ =	shalt  }
0x5c: {  	_ =	shalt  }
0x5d: {  	_ =	shalt  }
0x5e: {  	_ =	shalt  }
0x5f: {  	_ =	shalt  }
0x60: {  	_ =	shalt  }
0x61: {  	_ =	shalt  }
0x62: {  	_ =	shalt  }
0x63: {  	_ =	shalt  }
0x64: {  	_ =	shalt  }
0x65: {  	_ =	shalt  }
0x66: {  	_ =	shalt  }
0x67: {  	_ =	shalt  }
0x68: {  	_ =	shalt  }
0x69: {  	_ =	shalt  }
0x6a: {  	_ =	shalt  }
0x6b: {  	_ =	shalt  }
0x6c: {  	_ =	shalt  }
0x6d: {  	_ =	shalt  }
0x6e: {  	_ =	shalt  }
0x6f: {  	_ =	shalt  }
0x70: {  	_ =	shalt  }
0x71: {  	_ =	shalt  }
0x72: {  	_ =	shalt  }
0x73: {  	_ =	shalt  }
0x74: {  	_ =	shalt  }
0x75: {  	_ =	shalt  }
0x76: {  	_ =	shalt  }
0x77: {  	_ =	shalt  }
0x78: {  	_ =	shalt  }
0x79: {  	_ =	shalt  }
0x7a: {  	_ =	shalt  }
0x7b: {  	_ =	shalt  }
0x7c: {  	_ =	shalt  }
0x7d: {  	_ =	shalt  }
0x7e: {  	_ =	shalt  }
0x7f: {  	_ =	shalt  }
0x80: {  	_ =	shalt  }
0x81: {  	_ =	shalt  }
0x82: {  	_ =	shalt  }
0x83: {  	_ =	shalt  }
0x84: {  	_ =	shalt  }
0x85: {  	_ =	shalt  }
0x86: {  	_ =	shalt  }
0x87: {  	_ =	shalt  }
.Lfunc_end0:
.L_simem_size_0:
called_computation_lowered:
.L_overlay_start_0:
0x88: {  	s2 =	sld [smem:$0x3FD9]  }
0x89: {  	s3 =	sld [smem:$0x3FFE];
	_ =	sdelay $0x1  }
0x8a: {  	s1 =	srdreg.scid  }
0x8b: {  	s0 =	sand.u32 $0x1, s1  }
0x8c: {  	s17 =	sshll.u32 s0, $0xA;
	s2 =	sadd.s32 s3, s2  }
0x8d: {  	s2 =	sadd.s32 s2, s17  }
0x8e: {  	[smem:$0x3FBE] =	sst s2  }
0x8f: {  	_ = 	snop  }
0x90: {  	s2 =	sld [smem:$0x3FC5];
	(tm) =	ssettm $0x1  }
0x91: {  	s18 =	sld [smem:$0x3FFB];
	_ =	sdelay $0x3  }
0x92: {  	_ =	strace s18  }
0x93: {  	s3 =	sld [smem:$0x3FFC];
	_ =	sdelay $0x3  }
0x94: {  	_ =	strace s3  }
0x95: {  	s3 =	sld [smem:$0x3FFD];
	_ =	sdelay $0x3  }
0x96: {  	_ =	strace s3  }
0x97: {  	_ =	strace $0x8FFFFFFF  }
0x98: {  	s19 =	sld [smem:$0x3FDB];
	_ =	sdelay $0x1  }
0x99: {  	s4 =	simm.s32 $_scs_section_size  }
0x9a: {  	s5 =	simm.s32 $_size__tile_overlayer_lowered;
	s6 =	simm.s32 $_tile_overlayer_lowered  }
0x9b: {  	s22 =	simm.s32 $0x1BFF;
	s21 =	sshll.u32 s6, $0x1;
	s3 =	sadd.s32 s4, s19  }
0x9c: {  	s7 =	simm.s32 $0x0;
	s20 =	sshll.u32 s5, $0x1;
	s5 =	sadd.s32 s21, s3  }
0x9d: {  	[timem:s7], [sflag:s22] =	dma.local [hbm:s5], s20  }
0x9e: {  	_ =	swait.ge [sflag:s22], s20  }
0x9f: {  	s4 =	ssub.s32 $0x0, s20;
	[sflag:s22] =	ssyncset.done $0x0  }
0xa0: {  	[sflag:s22] =	ssyncadd.s32 s4;
	_ =	sdelay $0x1  }
0xa1: {  	s23 =	simm.s32 $0x1B8B  }
0xa2: {  	_ =	swait.ge [sflag:s23], $0x1  }
0xa3: {  	[sflag:s23] =	ssyncset.done $0x0  }
0xa4: {  	s25 =	simm.s32 $0x1B8E;
	s24 =	sld [smem:$0x3FFE];
	[sflag:s23] =	ssyncadd.s32 $0xFFFFFFFF  }
0xa5: {  	s26 =	simm.s32 $execute0_lowered;
	[smem:$0x3FD2] =	sst s25  }
0xa6: {  	s5 =	sshll.u32 s26, $0x1;
	_ =	strace $0x80000046;
	[dreg:$0x1] =	wrdreg $0xFFFFFFFF  }
0xa7: {  	s28 =	simm.s32 $_size_execute0_lowered;
	s3 =	sadd.s32 s3, s5;
	[dreg:$0x0] =	wrdreg $0x0  }
0xa8: {  	s5 =	sshll.u32 s28, $0x1;
	[dreg:$0x2] =	wrdreg s3  }
0xa9: {  	[dreg:$0x3] =	wrdreg s5  }
0xaa: {  	[dreg:$0x4] =	wrdreg $0xC0  }
0xab: {  	_ =	task [dreg:s7], $0x5FFFF  }
0xac: {  	[dreg:$0x1] =	wrdreg $0xFFFFFFFF  }
0xad: {  	[dreg:$0x0] =	wrdreg $0x60  }
0xae: {  	[dreg:$0x2] =	wrdreg s2  }
0xaf: {  	[dreg:$0x3] =	wrdreg s24  }
0xb0: {  	[dreg:$0x4] =	wrdreg $0x9  }
0xb1: {  	_ =	task.clear_ibuf [dreg:s7], $0x5FFFF;
	_ =	strace $0x90000046  }
0xb2: {  	s29 =	simm.s32 $0x9;
	_ =	strace $0x80000048  }
0xb3: {  	_ =	swait.ge [sflag:s29], $0x1  }
0xb4: {  	[sflag:s29] =	ssyncadd.s32 $0xFFFFFFFF  }
0xb5: {  	_ =	strace $0x90000048  }
0xb6: {  	_ =	sfence  }
0xb7: {  	s30 =	sld [smem:$0x0];
	_ =	sdelay $0x2  }
0xb8: {  	s31 =	sshll.u32 s1, $0xD;
	s1 =	sshrl.u32 s1, $0x2  }
0xb9: {  	s3 =	sand.u32 $0x4000, s31;
	s1 =	sadd.s32 s1, s30  }
0xba: {  	s0 =	sor.u32 s3, s0;
	s1 =	sshll.u32 s1, $0x11  }
0xbb: {  	s0 =	sor.u32 s1, s0  }
0xbc: {  	s0 =	sadd.s32 $0x8F2B, s0  }
0xbd: {  	[sflag:s0] =	ssyncadd.remote.s32 $0x1  }
0xbe: {  	_ =	sfence.sel $0xFFFF  }
0xbf: {  	[dreg:$0x0] =	wrdreg $0xFFFFFFFF;
	(pc) =	sbr.abs _section_cstart, $3  }
0xc0: {  	[dreg:$0x1] =	wrdreg $0xFFFFFFFF  }
0xc1: {  	_ =	task.clear_ibuf [dreg:s7], $0x2FFFF;
	_ =	strace $0x9FFFFFFF  }
0xc2: {  	(tm) =	ssettm $0x7FFFFFFF  }
0xc3: {  	_ =	shalt  }
tec
execute0_lowered:
.L_overlay_start_1:
0x0: {  	(tag) =	ssettag $0x1  }
0x1: {  	s1 =	srdreg.scid;
	s0 =	stileid.u32  }
0x2: {  	s1 =	sand.u32 $0x1, s1;
	s3 =	sshll.u32 s0, $0x1  }
0x3: {  	s2 =	rddreg [dreg:$0x0];
	s5 =	sor.u32 s1, s3  }
0x4: {  	s4 =	rddreg [dreg:$0x1];
	s6 =	sshll.u32 s5, $0x8  }
0x5: {  	s3 =	simm.s32 $0x0;
	s5 =	sshll.u32 s5, $0xF;
	s6 =	sadd.s32 s6, s4  }
0x6: {  	[smem:$0x7FF] =	sst s3;
	s31 =	sadd.s32 s5, s4;
	s16 =	sadd.s32 $0x2600, s6  }
0x7: {  	_ =	strace $0x80000047;
	s17 =	sadd.s32 $0x4600, s31;
	[dreg:$0x3] =	wrdreg s16  }
0x8: {  	s18 =	sadd.s32 $0x4E00, s31;
	[dreg:$0x4] =	wrdreg s17  }
0x9: {  	s19 =	sadd.s32 $0x5600, s31;
	[dreg:$0x5] =	wrdreg s18  }
0xa: {  	s20 =	sadd.s32 $0x5E00, s31;
	[dreg:$0x6] =	wrdreg s19  }
0xb: {  	s21 =	sadd.s32 $0x6600, s31;
	[dreg:$0x7] =	wrdreg s20  }
0xc: {  	s22 =	sadd.s32 $0x6E00, s31;
	[dreg:$0x8] =	wrdreg s21  }
0xd: {  	s23 =	sadd.s32 $0x7600, s31;
	[dreg:$0x9] =	wrdreg s22  }
0xe: {  	s24 =	sadd.s32 $0x7E00, s31;
	[dreg:$0xa] =	wrdreg s23  }
0xf: {  	s26 =	sadd.s32 $0x8600, s31;
	[dreg:$0xb] =	wrdreg s24  }
0x10: {  	[dreg:$0xc] =	wrdreg s26  }
0x11: {  	s4 =	simm.s32 $0x3;
	s25 =	rddreg [dreg:$0x3]  }
0x12: {  	[tilespmem:s3], [sflag:$0x3] =	stream.linear.gather [hbm4b:s25+s3], $0x800, $0x38;
	[tilespmem:$0x8800] =	vst v63  }
0x13: {  	_ =	swait.ge [sflag:s4], $0x800  }
0x14: {  	[sflag:s4] =	ssyncset.done $0x0  }
0x15: {  	s5 =	simm.s32 $0x80;
	s6 =	simm.s32 $0x800;
	[sflag:s4] =	ssyncadd.s32 $0xFFFFF800  }
0x16: {  	[tilespmem:s6], [sflag:$0x1] =	stream.indirect.gather [hbm4b:s2+s5], $0x80, s3, s5, $0xb8;
	[tilespmem:$0x8800] =	vst v63  }
0x17: {  	s7 =	simm.s32 $0x4800;
	s8 =	simm.s32 $0x1  }
0x18: {  	[tilespmem:s7], [sflag:$0x2] =	stream.indirect.gather [hbm4b:s2+s5], $0x80, s5, s5, $0xb8;
	[tilespmem:$0x8800] =	vst v63  }
0x19: {  	_ =	swait.ge [sflag:s8], $0x4000  }
0x1a: {  	[sflag:s8] =	ssyncset.done $0x0  }
0x1b: {  	s9 =	rddreg [dreg:$0x4];
	[sflag:s8] =	ssyncadd.s32 $0xFFFFC000  }
0x1c: {  	[hbm4b:s9+s3] =	stream.linear.scatter [tilespmem:s6], [sflag:$0x3], $0x4000, $0x38;
	[tilespmem:$0x8800] =	vst v63  }
0x1d: {  	_ =	swait.ge [sflag:s4], $0x4000  }
0x1e: {  	[sflag:s4] =	ssyncset.done $0x0  }
0x1f: {  	s10 =	simm.s32 $0x2;
	s9 =	simm.s32 $0x100;
	[sflag:s4] =	ssyncadd.s32 $0xFFFFC000  }
0x20: {  	[tilespmem:s6], [sflag:$0x1] =	stream.indirect.gather [hbm4b:s2+s5], $0x80, s9, s5, $0xb8;
	[tilespmem:$0x8800] =	vst v63  }
0x21: {  	_ =	swait.ge [sflag:s10], $0x4000  }
0x22: {  	[sflag:s10] =	ssyncset.done $0x0  }
0x23: {  	s11 =	rddreg [dreg:$0x5];
	[sflag:s10] =	ssyncadd.s32 $0xFFFFC000  }
0x24: {  	[hbm4b:s11+s3] =	stream.linear.scatter [tilespmem:s7], [sflag:$0x3], $0x4000, $0x38;
	[tilespmem:$0x8800] =	vst v63  }
0x25: {  	_ =	swait.ge [sflag:s4], $0x4000  }
0x26: {  	[sflag:s4] =	ssyncset.done $0x0  }
0x27: {  	s11 =	simm.s32 $0x180;
	[sflag:s4] =	ssyncadd.s32 $0xFFFFC000  }
0x28: {  	[tilespmem:s7], [sflag:$0x2] =	stream.indirect.gather [hbm4b:s2+s5], $0x80, s11, s5, $0xb8;
	[tilespmem:$0x8800] =	vst v63  }
0x29: {  	_ =	swait.ge [sflag:s8], $0x4000  }
0x2a: {  	[sflag:s8] =	ssyncset.done $0x0  }
0x2b: {  	s12 =	rddreg [dreg:$0x6];
	[sflag:s8] =	ssyncadd.s32 $0xFFFFC000  }
0x2c: {  	[hbm4b:s12+s3] =	stream.linear.scatter [tilespmem:s6], [sflag:$0x3], $0x4000, $0x38;
	[tilespmem:$0x8800] =	vst v63  }
0x2d: {  	_ =	swait.ge [sflag:s4], $0x4000  }
0x2e: {  	[sflag:s4] =	ssyncset.done $0x0  }
0x2f: {  	s12 =	simm.s32 $0x200;
	[sflag:s4] =	ssyncadd.s32 $0xFFFFC000  }
0x30: {  	[tilespmem:s6], [sflag:$0x1] =	stream.indirect.gather [hbm4b:s2+s5], $0x80, s12, s5, $0xb8;
	[tilespmem:$0x8800] =	vst v63  }
0x31: {  	_ =	swait.ge [sflag:s10], $0x4000  }
0x32: {  	[sflag:s10] =	ssyncset.done $0x0  }
0x33: {  	s13 =	rddreg [dreg:$0x7];
	[sflag:s10] =	ssyncadd.s32 $0xFFFFC000  }
0x34: {  	[hbm4b:s13+s3] =	stream.linear.scatter [tilespmem:s7], [sflag:$0x3], $0x4000, $0x38;
	[tilespmem:$0x8800] =	vst v63  }
0x35: {  	_ =	swait.ge [sflag:s4], $0x4000  }
0x36: {  	[sflag:s4] =	ssyncset.done $0x0  }
0x37: {  	s13 =	simm.s32 $0x280;
	[sflag:s4] =	ssyncadd.s32 $0xFFFFC000  }
0x38: {  	[tilespmem:s7], [sflag:$0x2] =	stream.indirect.gather [hbm4b:s2+s5], $0x80, s13, s5, $0xb8;
	[tilespmem:$0x8800] =	vst v63  }
0x39: {  	_ =	swait.ge [sflag:s8], $0x4000  }
0x3a: {  	[sflag:s8] =	ssyncset.done $0x0  }
0x3b: {  	s14 =	rddreg [dreg:$0x8];
	[sflag:s8] =	ssyncadd.s32 $0xFFFFC000  }
0x3c: {  	[hbm4b:s14+s3] =	stream.linear.scatter [tilespmem:s6], [sflag:$0x3], $0x4000, $0x38;
	[tilespmem:$0x8800] =	vst v63  }
0x3d: {  	_ =	swait.ge [sflag:s4], $0x4000  }
0x3e: {  	[sflag:s4] =	ssyncset.done $0x0  }
0x3f: {  	s14 =	simm.s32 $0x300;
	[sflag:s4] =	ssyncadd.s32 $0xFFFFC000  }
0x40: {  	[tilespmem:s6], [sflag:$0x1] =	stream.indirect.gather [hbm4b:s2+s5], $0x80, s14, s5, $0xb8;
	[tilespmem:$0x8800] =	vst v63  }
0x41: {  	_ =	swait.ge [sflag:s10], $0x4000  }
0x42: {  	[sflag:s10] =	ssyncset.done $0x0  }
0x43: {  	s15 =	rddreg [dreg:$0x9];
	[sflag:s10] =	ssyncadd.s32 $0xFFFFC000  }
0x44: {  	[hbm4b:s15+s3] =	stream.linear.scatter [tilespmem:s7], [sflag:$0x3], $0x4000, $0x38;
	[tilespmem:$0x8800] =	vst v63  }
0x45: {  	_ =	swait.ge [sflag:s4], $0x4000  }
0x46: {  	[sflag:s4] =	ssyncset.done $0x0  }
0x47: {  	s15 =	simm.s32 $0x380;
	[sflag:s4] =	ssyncadd.s32 $0xFFFFC000  }
0x48: {  	[tilespmem:s7], [sflag:$0x2] =	stream.indirect.gather [hbm4b:s2+s5], $0x80, s15, s5, $0xb8;
	[tilespmem:$0x8800] =	vst v63  }
0x49: {  	_ =	swait.ge [sflag:s8], $0x4000  }
0x4a: {  	[sflag:s8] =	ssyncset.done $0x0  }
0x4b: {  	s16 =	rddreg [dreg:$0xa];
	[sflag:s8] =	ssyncadd.s32 $0xFFFFC000  }
0x4c: {  	[hbm4b:s16+s3] =	stream.linear.scatter [tilespmem:s6], [sflag:$0x3], $0x4000, $0x38;
	[tilespmem:$0x8800] =	vst v63  }
0x4d: {  	_ =	swait.ge [sflag:s4], $0x4000  }
0x4e: {  	[sflag:s4] =	ssyncset.done $0x0  }
0x4f: {  	s16 =	simm.s32 $0x400;
	[sflag:s4] =	ssyncadd.s32 $0xFFFFC000  }
0x50: {  	[tilespmem:s6], [sflag:$0x1] =	stream.indirect.gather [hbm4b:s2+s5], $0x80, s16, s5, $0xb8;
	[tilespmem:$0x8800] =	vst v63  }
0x51: {  	_ =	swait.ge [sflag:s10], $0x4000  }
0x52: {  	[sflag:s10] =	ssyncset.done $0x0  }
0x53: {  	s17 =	rddreg [dreg:$0xb];
	[sflag:s10] =	ssyncadd.s32 $0xFFFFC000  }
0x54: {  	[hbm4b:s17+s3] =	stream.linear.scatter [tilespmem:s7], [sflag:$0x3], $0x4000, $0x38;
	[tilespmem:$0x8800] =	vst v63  }
0x55: {  	_ =	swait.ge [sflag:s4], $0x4000  }
0x56: {  	[sflag:s4] =	ssyncset.done $0x0  }
0x57: {  	s17 =	simm.s32 $0x480;
	[sflag:s4] =	ssyncadd.s32 $0xFFFFC000  }
0x58: {  	[tilespmem:s7], [sflag:$0x2] =	stream.indirect.gather [hbm4b:s2+s5], $0x80, s17, s5, $0xb8;
	[tilespmem:$0x8800] =	vst v63  }
0x59: {  	_ =	swait.ge [sflag:s8], $0x4000  }
0x5a: {  	[sflag:s8] =	ssyncset.done $0x0  }
0x5b: {  	s18 =	rddreg [dreg:$0xc];
	[sflag:s8] =	ssyncadd.s32 $0xFFFFC000  }
0x5c: {  	[hbm4b:s18+s3] =	stream.linear.scatter [tilespmem:s6], [sflag:$0x3], $0x4000, $0x38;
	[tilespmem:$0x8800] =	vst v63  }
0x5d: {  	_ =	swait.ge [sflag:s4], $0x4000  }
0x5e: {  	[sflag:s4] =	ssyncset.done $0x0  }
0x5f: {  	s18 =	simm.s32 $0x500;
	[sflag:s4] =	ssyncadd.s32 $0xFFFFC000  }
0x60: {  	[tilespmem:s6], [sflag:$0x1] =	stream.indirect.gather [hbm4b:s2+s5], $0x80, s18, s5, $0xb8;
	[tilespmem:$0x8800] =	vst v63  }
0x61: {  	_ =	swait.ge [sflag:s10], $0x4000  }
0x62: {  	[sflag:s10] =	ssyncset.done $0x0  }
0x63: {  	s19 =	sadd.s32 $0x8E00, s31;
	[sflag:s10] =	ssyncadd.s32 $0xFFFFC000  }
0x64: {  	[hbm4b:s19+s3] =	stream.linear.scatter [tilespmem:s7], [sflag:$0x3], $0x4000, $0x38;
	[tilespmem:$0x8800] =	vst v63  }
0x65: {  	_ =	swait.ge [sflag:s4], $0x4000  }
0x66: {  	[sflag:s4] =	ssyncset.done $0x0  }
0x67: {  	s20 =	simm.s32 $0x580;
	[sflag:s4] =	ssyncadd.s32 $0xFFFFC000  }
0x68: {  	[tilespmem:s7], [sflag:$0x2] =	stream.indirect.gather [hbm4b:s2+s5], $0x80, s20, s5, $0xb8;
	[tilespmem:$0x8800] =	vst v63  }
0x69: {  	_ =	swait.ge [sflag:s8], $0x4000  }
0x6a: {  	[sflag:s8] =	ssyncset.done $0x0  }
0x6b: {  	s21 =	sadd.s32 $0x9600, s31;
	[sflag:s8] =	ssyncadd.s32 $0xFFFFC000  }
0x6c: {  	[hbm4b:s21+s3] =	stream.linear.scatter [tilespmem:s6], [sflag:$0x3], $0x4000, $0x38;
	[tilespmem:$0x8800] =	vst v63  }
0x6d: {  	_ =	swait.ge [sflag:s4], $0x4000  }
0x6e: {  	[sflag:s4] =	ssyncset.done $0x0  }
0x6f: {  	s22 =	simm.s32 $0x600;
	[sflag:s4] =	ssyncadd.s32 $0xFFFFC000  }
0x70: {  	[tilespmem:s6], [sflag:$0x1] =	stream.indirect.gather [hbm4b:s2+s5], $0x80, s22, s5, $0xb8;
	[tilespmem:$0x8800] =	vst v63  }
0x71: {  	_ =	swait.ge [sflag:s10], $0x4000  }
0x72: {  	[sflag:s10] =	ssyncset.done $0x0  }
0x73: {  	s23 =	sadd.s32 $0x9E00, s31;
	[sflag:s10] =	ssyncadd.s32 $0xFFFFC000  }
0x74: {  	[hbm4b:s23+s3] =	stream.linear.scatter [tilespmem:s7], [sflag:$0x3], $0x4000, $0x38;
	[tilespmem:$0x8800] =	vst v63  }
0x75: {  	_ =	swait.ge [sflag:s4], $0x4000  }
0x76: {  	[sflag:s4] =	ssyncset.done $0x0  }
0x77: {  	s24 =	simm.s32 $0x680;
	[sflag:s4] =	ssyncadd.s32 $0xFFFFC000  }
0x78: {  	[tilespmem:s7], [sflag:$0x2] =	stream.indirect.gather [hbm4b:s2+s5], $0x80, s24, s5, $0xb8;
	[tilespmem:$0x8800] =	vst v63  }
0x79: {  	_ =	swait.ge [sflag:s8], $0x4000  }
0x7a: {  	[sflag:s8] =	ssyncset.done $0x0  }
0x7b: {  	s25 =	sadd.s32 $0xA600, s31;
	[sflag:s8] =	ssyncadd.s32 $0xFFFFC000  }
0x7c: {  	[hbm4b:s25+s3] =	stream.linear.scatter [tilespmem:s6], [sflag:$0x3], $0x4000, $0x38;
	[tilespmem:$0x8800] =	vst v63  }
0x7d: {  	_ =	swait.ge [sflag:s4], $0x4000  }
0x7e: {  	[sflag:s4] =	ssyncset.done $0x0  }
0x7f: {  	s26 =	simm.s32 $0x700;
	[sflag:s4] =	ssyncadd.s32 $0xFFFFC000  }
0x80: {  	[tilespmem:s6], [sflag:$0x1] =	stream.indirect.gather [hbm4b:s2+s5], $0x80, s26, s5, $0xb8;
	[tilespmem:$0x8800] =	vst v63  }
0x81: {  	_ =	swait.ge [sflag:s10], $0x4000  }
0x82: {  	[sflag:s10] =	ssyncset.done $0x0  }
0x83: {  	s28 =	sadd.s32 $0xAE00, s31;
	[sflag:s10] =	ssyncadd.s32 $0xFFFFC000  }
0x84: {  	[hbm4b:s28+s3] =	stream.linear.scatter [tilespmem:s7], [sflag:$0x3], $0x4000, $0x38;
	[tilespmem:$0x8800] =	vst v63  }
0x85: {  	_ =	swait.ge [sflag:s4], $0x4000  }
0x86: {  	[sflag:s4] =	ssyncset.done $0x0  }
0x87: {  	s29 =	simm.s32 $0x780;
	[sflag:s4] =	ssyncadd.s32 $0xFFFFC000  }
0x88: {  	[tilespmem:s7], [sflag:$0x2] =	stream.indirect.gather [hbm4b:s2+s5], $0x80, s29, s5, $0xb8;
	[tilespmem:$0x8800] =	vst v63  }
0x89: {  	_ =	swait.ge [sflag:s8], $0x4000  }
0x8a: {  	s1 =	ssub.s32 $0x2, s1;
	[sflag:s8] =	ssyncset.done $0x0  }
0x8b: {  	s0 =	sshrl.u32 s1, $0x1;
	s30 =	sadd.s32 $0xB600, s31;
	[sflag:s8] =	ssyncadd.s32 $0xFFFFC000  }
0x8c: {  	[hbm4b:s30+s3] =	stream.linear.scatter [tilespmem:s6], [sflag:$0x3], $0x4000, $0x38;
	[tilespmem:$0x8800] =	vst v63  }
0x8d: {  	s0 =	ssub.s32 s1, s0;
	_ =	swait.ge [sflag:s4], $0x4000  }
0x8e: {  	s0 =	smax.u32 s0, $0x1;
	[sflag:s4] =	ssyncset.done $0x0  }
0x8f: {  	p0 =	sne.s32 s0, $0x1;
	[sflag:s4] =	ssyncadd.s32 $0xFFFFC000  }
.Ltmp0:
0x90: {  	_ =	swait.ge [sflag:s10], $0x4000;
	(pc) =	sbr.rel @!p0 .LBB2_2-.Ltmp0, $4  }
0x91: {  	[sflag:s10] =	ssyncset.done $0x0  }
0x92: {  	s31 =	sadd.s32 $0xBE00, s31;
	[sflag:s10] =	ssyncadd.s32 $0xFFFFC000  }
0x93: {  	[hbm4b:s31+s3] =	stream.linear.scatter [tilespmem:s7], [sflag:$0x3], $0x4000, $0x38;
	[tilespmem:$0x8800] =	vst v63  }
0x94: {  	s1 =	sadd.s32 $0xFFFFFFFF, s0;
	_ =	swait.ge [sflag:s4], $0x4000  }
.LBB2_1:
0x95: {  	[sflag:s4] =	ssyncset.done $0x0  }
0x96: {  	s0 =	rddreg [dreg:$0x3];
	[sflag:s4] =	ssyncadd.s32 $0xFFFFC000  }
0x97: {  	[tilespmem:s3], [sflag:$0x3] =	stream.linear.gather [hbm4b:s0+s3], $0x800, $0x38;
	[tilespmem:$0x8800] =	vst v63  }
0x98: {  	_ =	swait.ge [sflag:s4], $0x800  }
0x99: {  	[sflag:s4] =	ssyncset.done $0x0  }
0x9a: {  	[sflag:s4] =	ssyncadd.s32 $0xFFFFF800  }
0x9b: {  	[tilespmem:s6], [sflag:$0x1] =	stream.indirect.gather [hbm4b:s2+s5], $0x80, s3, s5, $0xb8;
	[tilespmem:$0x8800] =	vst v63  }
0x9c: {  	_ = 	snop  }
0x9d: {  	[tilespmem:s7], [sflag:$0x2] =	stream.indirect.gather [hbm4b:s2+s5], $0x80, s5, s5, $0xb8;
	[tilespmem:$0x8800] =	vst v63  }
0x9e: {  	_ =	swait.ge [sflag:s8], $0x4000  }
0x9f: {  	[sflag:s8] =	ssyncset.done $0x0  }
0xa0: {  	s0 =	rddreg [dreg:$0x4];
	[sflag:s8] =	ssyncadd.s32 $0xFFFFC000  }
0xa1: {  	[hbm4b:s0+s3] =	stream.linear.scatter [tilespmem:s6], [sflag:$0x3], $0x4000, $0x38;
	[tilespmem:$0x8800] =	vst v63  }
0xa2: {  	_ =	swait.ge [sflag:s4], $0x4000  }
0xa3: {  	[sflag:s4] =	ssyncset.done $0x0  }
0xa4: {  	[sflag:s4] =	ssyncadd.s32 $0xFFFFC000  }
0xa5: {  	[tilespmem:s6], [sflag:$0x1] =	stream.indirect.gather [hbm4b:s2+s5], $0x80, s9, s5, $0xb8;
	[tilespmem:$0x8800] =	vst v63  }
0xa6: {  	_ =	swait.ge [sflag:s10], $0x4000  }
0xa7: {  	[sflag:s10] =	ssyncset.done $0x0  }
0xa8: {  	s0 =	rddreg [dreg:$0x5];
	[sflag:s10] =	ssyncadd.s32 $0xFFFFC000  }
0xa9: {  	[hbm4b:s0+s3] =	stream.linear.scatter [tilespmem:s7], [sflag:$0x3], $0x4000, $0x38;
	[tilespmem:$0x8800] =	vst v63  }
0xaa: {  	_ =	swait.ge [sflag:s4], $0x4000  }
0xab: {  	[sflag:s4] =	ssyncset.done $0x0  }
0xac: {  	[sflag:s4] =	ssyncadd.s32 $0xFFFFC000  }
0xad: {  	[tilespmem:s7], [sflag:$0x2] =	stream.indirect.gather [hbm4b:s2+s5], $0x80, s11, s5, $0xb8;
	[tilespmem:$0x8800] =	vst v63  }
0xae: {  	_ =	swait.ge [sflag:s8], $0x4000  }
0xaf: {  	[sflag:s8] =	ssyncset.done $0x0  }
0xb0: {  	s0 =	rddreg [dreg:$0x6];
	[sflag:s8] =	ssyncadd.s32 $0xFFFFC000  }
0xb1: {  	[hbm4b:s0+s3] =	stream.linear.scatter [tilespmem:s6], [sflag:$0x3], $0x4000, $0x38;
	[tilespmem:$0x8800] =	vst v63  }
0xb2: {  	_ =	swait.ge [sflag:s4], $0x4000  }
0xb3: {  	[sflag:s4] =	ssyncset.done $0x0  }
0xb4: {  	[sflag:s4] =	ssyncadd.s32 $0xFFFFC000  }
0xb5: {  	[tilespmem:s6], [sflag:$0x1] =	stream.indirect.gather [hbm4b:s2+s5], $0x80, s12, s5, $0xb8;
	[tilespmem:$0x8800] =	vst v63  }
0xb6: {  	_ =	swait.ge [sflag:s10], $0x4000  }
0xb7: {  	[sflag:s10] =	ssyncset.done $0x0  }
0xb8: {  	s0 =	rddreg [dreg:$0x7];
	[sflag:s10] =	ssyncadd.s32 $0xFFFFC000  }
0xb9: {  	[hbm4b:s0+s3] =	stream.linear.scatter [tilespmem:s7], [sflag:$0x3], $0x4000, $0x38;
	[tilespmem:$0x8800] =	vst v63  }
0xba: {  	_ =	swait.ge [sflag:s4], $0x4000  }
0xbb: {  	[sflag:s4] =	ssyncset.done $0x0  }
0xbc: {  	[sflag:s4] =	ssyncadd.s32 $0xFFFFC000  }
0xbd: {  	[tilespmem:s7], [sflag:$0x2] =	stream.indirect.gather [hbm4b:s2+s5], $0x80, s13, s5, $0xb8;
	[tilespmem:$0x8800] =	vst v63  }
0xbe: {  	_ =	swait.ge [sflag:s8], $0x4000  }
0xbf: {  	[sflag:s8] =	ssyncset.done $0x0  }
0xc0: {  	s0 =	rddreg [dreg:$0x8];
	[sflag:s8] =	ssyncadd.s32 $0xFFFFC000  }
0xc1: {  	[hbm4b:s0+s3] =	stream.linear.scatter [tilespmem:s6], [sflag:$0x3], $0x4000, $0x38;
	[tilespmem:$0x8800] =	vst v63  }
0xc2: {  	_ =	swait.ge [sflag:s4], $0x4000  }
0xc3: {  	[sflag:s4] =	ssyncset.done $0x0  }
0xc4: {  	[sflag:s4] =	ssyncadd.s32 $0xFFFFC000  }
0xc5: {  	[tilespmem:s6], [sflag:$0x1] =	stream.indirect.gather [hbm4b:s2+s5], $0x80, s14, s5, $0xb8;
	[tilespmem:$0x8800] =	vst v63  }
0xc6: {  	_ =	swait.ge [sflag:s10], $0x4000  }
0xc7: {  	[sflag:s10] =	ssyncset.done $0x0  }
0xc8: {  	s0 =	rddreg [dreg:$0x9];
	[sflag:s10] =	ssyncadd.s32 $0xFFFFC000  }
0xc9: {  	[hbm4b:s0+s3] =	stream.linear.scatter [tilespmem:s7], [sflag:$0x3], $0x4000, $0x38;
	[tilespmem:$0x8800] =	vst v63  }
0xca: {  	_ =	swait.ge [sflag:s4], $0x4000  }
0xcb: {  	[sflag:s4] =	ssyncset.done $0x0  }
0xcc: {  	[sflag:s4] =	ssyncadd.s32 $0xFFFFC000  }
0xcd: {  	[tilespmem:s7], [sflag:$0x2] =	stream.indirect.gather [hbm4b:s2+s5], $0x80, s15, s5, $0xb8;
	[tilespmem:$0x8800] =	vst v63  }
0xce: {  	_ =	swait.ge [sflag:s8], $0x4000  }
0xcf: {  	[sflag:s8] =	ssyncset.done $0x0  }
0xd0: {  	s0 =	rddreg [dreg:$0xa];
	[sflag:s8] =	ssyncadd.s32 $0xFFFFC000  }
0xd1: {  	[hbm4b:s0+s3] =	stream.linear.scatter [tilespmem:s6], [sflag:$0x3], $0x4000, $0x38;
	[tilespmem:$0x8800] =	vst v63  }
0xd2: {  	_ =	swait.ge [sflag:s4], $0x4000  }
0xd3: {  	[sflag:s4] =	ssyncset.done $0x0  }
0xd4: {  	[sflag:s4] =	ssyncadd.s32 $0xFFFFC000  }
0xd5: {  	[tilespmem:s6], [sflag:$0x1] =	stream.indirect.gather [hbm4b:s2+s5], $0x80, s16, s5, $0xb8;
	[tilespmem:$0x8800] =	vst v63  }
0xd6: {  	_ =	swait.ge [sflag:s10], $0x4000  }
0xd7: {  	[sflag:s10] =	ssyncset.done $0x0  }
0xd8: {  	s0 =	rddreg [dreg:$0xb];
	[sflag:s10] =	ssyncadd.s32 $0xFFFFC000  }
0xd9: {  	[hbm4b:s0+s3] =	stream.linear.scatter [tilespmem:s7], [sflag:$0x3], $0x4000, $0x38;
	[tilespmem:$0x8800] =	vst v63  }
0xda: {  	_ =	swait.ge [sflag:s4], $0x4000  }
0xdb: {  	[sflag:s4] =	ssyncset.done $0x0  }
0xdc: {  	[sflag:s4] =	ssyncadd.s32 $0xFFFFC000  }
0xdd: {  	[tilespmem:s7], [sflag:$0x2] =	stream.indirect.gather [hbm4b:s2+s5], $0x80, s17, s5, $0xb8;
	[tilespmem:$0x8800] =	vst v63  }
0xde: {  	_ =	swait.ge [sflag:s8], $0x4000  }
0xdf: {  	[sflag:s8] =	ssyncset.done $0x0  }
0xe0: {  	s0 =	rddreg [dreg:$0xc];
	[sflag:s8] =	ssyncadd.s32 $0xFFFFC000  }
0xe1: {  	[hbm4b:s0+s3] =	stream.linear.scatter [tilespmem:s6], [sflag:$0x3], $0x4000, $0x38;
	[tilespmem:$0x8800] =	vst v63  }
0xe2: {  	_ =	swait.ge [sflag:s4], $0x4000  }
0xe3: {  	[sflag:s4] =	ssyncset.done $0x0  }
0xe4: {  	[sflag:s4] =	ssyncadd.s32 $0xFFFFC000  }
0xe5: {  	[tilespmem:s6], [sflag:$0x1] =	stream.indirect.gather [hbm4b:s2+s5], $0x80, s18, s5, $0xb8;
	[tilespmem:$0x8800] =	vst v63  }
0xe6: {  	_ =	swait.ge [sflag:s10], $0x4000  }
0xe7: {  	[sflag:s10] =	ssyncset.done $0x0  }
0xe8: {  	[sflag:s10] =	ssyncadd.s32 $0xFFFFC000  }
0xe9: {  	[hbm4b:s19+s3] =	stream.linear.scatter [tilespmem:s7], [sflag:$0x3], $0x4000, $0x38;
	[tilespmem:$0x8800] =	vst v63  }
0xea: {  	_ =	swait.ge [sflag:s4], $0x4000  }
0xeb: {  	[sflag:s4] =	ssyncset.done $0x0  }
0xec: {  	[sflag:s4] =	ssyncadd.s32 $0xFFFFC000  }
0xed: {  	[tilespmem:s7], [sflag:$0x2] =	stream.indirect.gather [hbm4b:s2+s5], $0x80, s20, s5, $0xb8;
	[tilespmem:$0x8800] =	vst v63  }
0xee: {  	_ =	swait.ge [sflag:s8], $0x4000  }
0xef: {  	[sflag:s8] =	ssyncset.done $0x0  }
0xf0: {  	[sflag:s8] =	ssyncadd.s32 $0xFFFFC000  }
0xf1: {  	[hbm4b:s21+s3] =	stream.linear.scatter [tilespmem:s6], [sflag:$0x3], $0x4000, $0x38;
	[tilespmem:$0x8800] =	vst v63  }
0xf2: {  	_ =	swait.ge [sflag:s4], $0x4000  }
0xf3: {  	[sflag:s4] =	ssyncset.done $0x0  }
0xf4: {  	[sflag:s4] =	ssyncadd.s32 $0xFFFFC000  }
0xf5: {  	[tilespmem:s6], [sflag:$0x1] =	stream.indirect.gather [hbm4b:s2+s5], $0x80, s22, s5, $0xb8;
	[tilespmem:$0x8800] =	vst v63  }
0xf6: {  	_ =	swait.ge [sflag:s10], $0x4000  }
0xf7: {  	[sflag:s10] =	ssyncset.done $0x0  }
0xf8: {  	[sflag:s10] =	ssyncadd.s32 $0xFFFFC000  }
0xf9: {  	[hbm4b:s23+s3] =	stream.linear.scatter [tilespmem:s7], [sflag:$0x3], $0x4000, $0x38;
	[tilespmem:$0x8800] =	vst v63  }
0xfa: {  	_ =	swait.ge [sflag:s4], $0x4000  }
0xfb: {  	[sflag:s4] =	ssyncset.done $0x0  }
0xfc: {  	[sflag:s4] =	ssyncadd.s32 $0xFFFFC000  }
0xfd: {  	[tilespmem:s7], [sflag:$0x2] =	stream.indirect.gather [hbm4b:s2+s5], $0x80, s24, s5, $0xb8;
	[tilespmem:$0x8800] =	vst v63  }
0xfe: {  	_ =	swait.ge [sflag:s8], $0x4000  }
0xff: {  	[sflag:s8] =	ssyncset.done $0x0  }
0x100: {  	[sflag:s8] =	ssyncadd.s32 $0xFFFFC000  }
0x101: {  	[hbm4b:s25+s3] =	stream.linear.scatter [tilespmem:s6], [sflag:$0x3], $0x4000, $0x38;
	[tilespmem:$0x8800] =	vst v63  }
0x102: {  	_ =	swait.ge [sflag:s4], $0x4000  }
0x103: {  	[sflag:s4] =	ssyncset.done $0x0  }
0x104: {  	[sflag:s4] =	ssyncadd.s32 $0xFFFFC000  }
0x105: {  	[tilespmem:s6], [sflag:$0x1] =	stream.indirect.gather [hbm4b:s2+s5], $0x80, s26, s5, $0xb8;
	[tilespmem:$0x8800] =	vst v63  }
0x106: {  	_ =	swait.ge [sflag:s10], $0x4000  }
0x107: {  	[sflag:s10] =	ssyncset.done $0x0  }
0x108: {  	[sflag:s10] =	ssyncadd.s32 $0xFFFFC000  }
0x109: {  	[hbm4b:s28+s3] =	stream.linear.scatter [tilespmem:s7], [sflag:$0x3], $0x4000, $0x38;
	[tilespmem:$0x8800] =	vst v63  }
0x10a: {  	_ =	swait.ge [sflag:s4], $0x4000  }
0x10b: {  	[sflag:s4] =	ssyncset.done $0x0  }
0x10c: {  	[sflag:s4] =	ssyncadd.s32 $0xFFFFC000  }
0x10d: {  	[tilespmem:s7], [sflag:$0x2] =	stream.indirect.gather [hbm4b:s2+s5], $0x80, s29, s5, $0xb8;
	[tilespmem:$0x8800] =	vst v63  }
0x10e: {  	_ =	swait.ge [sflag:s8], $0x4000  }
0x10f: {  	[sflag:s8] =	ssyncset.done $0x0  }
0x110: {  	[sflag:s8] =	ssyncadd.s32 $0xFFFFC000  }
0x111: {  	[hbm4b:s30+s3] =	stream.linear.scatter [tilespmem:s6], [sflag:$0x3], $0x4000, $0x38;
	[tilespmem:$0x8800] =	vst v63  }
0x112: {  	_ =	swait.ge [sflag:s4], $0x4000  }
0x113: {  	[sflag:s4] =	ssyncset.done $0x0  }
0x114: {  	p0 =	sne.s32 s1, $0x1;
	[sflag:s4] =	ssyncadd.s32 $0xFFFFC000  }
.Ltmp1:
0x115: {  	_ =	swait.ge [sflag:s10], $0x4000;
	(pc) =	sbr.rel @p0 .LBB2_1-.Ltmp1, $4  }
0x116: {  	[sflag:s10] =	ssyncset.done $0x0  }
0x117: {  	[sflag:s10] =	ssyncadd.s32 $0xFFFFC000  }
0x118: {  	[hbm4b:s31+s3] =	stream.linear.scatter [tilespmem:s7], [sflag:$0x3], $0x4000, $0x38;
	[tilespmem:$0x8800] =	vst v63  }
0x119: {  	s1 =	sadd.s32 $0xFFFFFFFF, s1;
	_ =	swait.ge [sflag:s4], $0x4000  }
.LBB2_2:
0x11a: {  	[sflag:s4] =	ssyncset.done $0x0  }
0x11b: {  	[sflag:s4] =	ssyncadd.s32 $0xFFFFC000  }
0x11c: {  	_ =	sfence.sel $0x180000  }
0x11d: {  	[bflag:$0x0] =	sbarrier.arrive $0xFFFF  }
0x11e: {  	_ =	strace $0x90000047  }
0x11f: {  	s0 =	stileid.u32;
	[bflag:$0x2] =	sbarrier.arrive $0xFFFF  }
0x120: {  	p0 =	sne.s32 s0, $0x0;
	s0 =	rddreg [dreg:$0x2]  }
0x121: {  	s0 =	sadd.s32 @!p0 $0x100000, s0  }
0x122: {  	[sflag:s0] =	ssyncadd.tile.s32 @!p0 $0x1;
	_ =	shalt  }
.Lfunc_end2:
_tile_overlayer_lowered:
.L_overlay_start_2:
0x123: {  	(tag) =	ssettag $0x2  }
0x124: {  	s0 =	rddreg [dreg:$0x0];
	s2 =	stileid.u32  }
0x125: {  	s1 =	rddreg [dreg:$0x1];
	p0 =	sne.s32 s2, $0x0  }
0x126: {  	s3 =	rddreg [dreg:$0x2];
	[bflag:$0x3] =	sbarrier.arrive $0xFFFF;
	s2 =	simm.s32 @!p0 $0x1C03  }
0x127: {  	[timem:s3], [sflag:s2] =	dma.local @!p0 [hbm:s0], s1  }
0x128: {  	s0 =	simm.s32 @!p0 $0x3  }
0x129: {  	_ =	swait.ge @!p0 [sflag:s0], s1  }
0x12a: {  	s1 =	ssub.s32 @!p0 $0x0, s1;
	[sflag:s0] =	ssyncset.done @!p0 $0x0  }
0x12b: {  	[sflag:s0] =	ssyncadd.s32 @!p0 s1  }
0x12c: {  	[bflag:$0x3] =	sbarrier.arrive $0xFFFF  }
0x12d: {  	_ =	shalt  }

// kernel: kernel.9.cloned.1.call-start
scs
__scs_entry_jumppad:
0x0: {  	(pc) =	sbr.rel $0x88, $3  }
0x1: {  	(tag) =	ssettag $0x0;
	lr =	simm.s32 $0x1  }
0x2: {  	[smem:$0x3F97] =	sst lr;
	_ =	strace $0xD0000000  }
0x3: {  	_ = 	snop  }
0x4: {  	_ = 	snop  }
0x5: {  	_ = 	snop  }
0x6: {  	_ = 	snop  }
0x7: {  	_ = 	snop  }
__scs_overlays_trampoline_lowered:
0x8: {  	[smem:$0x3FA6] =	sst s0  }
0x9: {  	[smem:$0x3FA7] =	sst s1  }
0xa: {  	[smem:$0x3FA8] =	sst s2  }
0xb: {  	[smem:$0x3FA9] =	sst s3  }
0xc: {  	[smem:$0x3FAA] =	sst s4  }
0xd: {  	[smem:$0x3FAB] =	sst s5  }
0xe: {  	[smem:$0x3FAC] =	sst s6  }
0xf: {  	[smem:$0x3FAD] =	sst s7  }
0x10: {  	[smem:$0x3FAE] =	sst s8  }
0x11: {  	[smem:$0x3FAF] =	sst s9;
	s0 =	simm.s32 @!p0 $0x0  }
0x12: {  	s1 =	sld [smem:$0x3F95];
	s0 =	simm.s32 @p0 $0x1  }
0x13: {  	[smem:$0x3FB0] =	sst s0;
	s0 =	simm.s32 @!p1 $0x0  }
0x14: {  	s2 =	sld [smem:$0x3F94];
	s0 =	simm.s32 @p1 $0x1  }
0x15: {  	[smem:$0x3FB1] =	sst s0;
	s0 =	simm.s32 @!p2 $0x0  }
0x16: {  	s3 =	sld [smem:$0x3FDB];
	s0 =	simm.s32 @p2 $0x1  }
0x17: {  	s4 =	simm.s32 $0x1BF5;
	[smem:$0x3FB3] =	sst s0  }
0x18: {  	s0 =	sld [smem:$0x3F96];
	_ =	swait.ge [sflag:s4], $0x0  }
0x19: {  	s7 =	sld [smem:$0x3F97]  }
0x1a: {  	s8 =	sadd.s32 $0xFFFFE003, lr  }
0x1b: {  	s9 =	sadd.s32 $0xFFFFFEF7, lr;
	s5 =	simm.s32 $0xFFFFFFFF;
	p2 =	slt.u32 s8, $0xFFFFF086  }
0x1c: {  	p1 =	slt.u32 s9, $0xF7A;
	s5 =	simm.s32 @!p2 $0x0  }
0x1d: {  	s5 =	simm.s32 @p1 $0x1;
	p0 =	seq.s32 s7, s2  }
0x1e: {  	s7 =	smul.u32 @!p0 $0xF7A, s2;
	p2 =	seq.s32 @!p0 s5, $0x0  }
0x1f: {  	s9 =	smul.u32 $0xF7A, s1;
	s8 =	simm.s32 @!p0 $0x1BF5;
	p2 =	por !p2, p0  }
0x20: {  	[sflag:s8] =	ssyncset.s32 @!p0 $0xFFFFF086;
	s6 =	sadd.s32 @!p0 s3, s7;
	s7 =	simm.s32 @!p0 $0x108  }
0x21: {  	s3 =	sadd.s32 s3, s9;
	s6 =	sadd.s32 @!p0 $0x88, s6;
	s7 =	simm.s32 @p2 $0x1082  }
0x22: {  	[simem:s7], [sflag:s8] =	dma.local @!p0 [hbm:s6], $0xF7A  }
0x23: {  	s9 =	sor.u32 $0xD0000000, s2;
	s6 =	simm.s32 $0x108;
	_ =	swait.ge @!p0 [sflag:s8], $0x0  }
0x24: {  	s3 =	sadd.s32 $0x88, s3;
	s6 =	simm.s32 @!p1 $0x1082;
	[sflag:s4] =	ssyncset.s32 $0xFFFFF086  }
0x25: {  	[simem:s6], [sflag:s4] =	dma.local [hbm:s3], $0xF7A  }
0x26: {  	[smem:$0x3F97] =	sst s1;
	(tag) =	ssettag s2;
	_ =	strace s9  }
0x27: {  	s1 =	sld [smem:$0x3FA7]  }
0x28: {  	s2 =	sld [smem:$0x3FA8]  }
0x29: {  	s4 =	sld [smem:$0x3FAA]  }
0x2a: {  	p0 =	seq.s32 s5, $0x0;
	s5 =	sld [smem:$0x3FAB]  }
0x2b: {  	s6 =	sld [smem:$0x3FAC]  }
0x2c: {  	s7 =	sld [smem:$0x3FAD]  }
0x2d: {  	s3 =	simm.s32 $0x108;
	s8 =	sld [smem:$0x3FAE]  }
0x2e: {  	s3 =	simm.s32 @!p0 $0x1082;
	s9 =	sld [smem:$0x3FAF]  }
0x2f: {  	lr =	sadd.s32 s0, s3;
	s0 =	sld [smem:$0x3FA6]  }
0x30: {  	s3 =	sld [smem:$0x3FA9]  }
0x31: {  	[smem:$0x3FB2] =	sst s10  }
0x32: {  	s10 =	sld [smem:$0x3FB0];
	_ =	sdelay $0x3  }
0x33: {  	p0 =	seq.s32 s10, $0x1;
	s10 =	sld [smem:$0x3FB2];
	_ =	sdelay $0x3  }
0x34: {  	[smem:$0x3FB2] =	sst s10  }
0x35: {  	s10 =	sld [smem:$0x3FB1];
	_ =	sdelay $0x3  }
0x36: {  	p1 =	seq.s32 s10, $0x1;
	s10 =	sld [smem:$0x3FB2];
	_ =	sdelay $0x3  }
0x37: {  	[smem:$0x3FB2] =	sst s10  }
0x38: {  	s10 =	sld [smem:$0x3FB3]  }
0x39: {  	_ = 	snop;
	(pc) =	sbr.ind lr, $3  }
0x3a: {  	_ = 	snop  }
0x3b: {  	_ = 	snop  }
0x3c: {  	p2 =	seq.s32 s10, $0x1;
	s10 =	sld [smem:$0x3FB2]  }
0x3d: {  	_ =	shalt  }
0x3e: {  	_ =	shalt  }
0x3f: {  	_ =	shalt  }
0x40: {  	_ =	shalt  }
0x41: {  	_ =	shalt  }
0x42: {  	_ =	shalt  }
0x43: {  	_ =	shalt  }
0x44: {  	_ =	shalt  }
0x45: {  	_ =	shalt  }
0x46: {  	_ =	shalt  }
0x47: {  	_ =	shalt  }
0x48: {  	_ =	shalt  }
0x49: {  	_ =	shalt  }
0x4a: {  	_ =	shalt  }
0x4b: {  	_ =	shalt  }
0x4c: {  	_ =	shalt  }
0x4d: {  	_ =	shalt  }
0x4e: {  	_ =	shalt  }
0x4f: {  	_ =	shalt  }
0x50: {  	_ =	shalt  }
0x51: {  	_ =	shalt  }
0x52: {  	_ =	shalt  }
0x53: {  	_ =	shalt  }
0x54: {  	_ =	shalt  }
0x55: {  	_ =	shalt  }
0x56: {  	_ =	shalt  }
0x57: {  	_ =	shalt  }
0x58: {  	_ =	shalt  }
0x59: {  	_ =	shalt  }
0x5a: {  	_ =	shalt  }
0x5b: {  	_ =	shalt  }
0x5c: {  	_ =	shalt  }
0x5d: {  	_ =	shalt  }
0x5e: {  	_ =	shalt  }
0x5f: {  	_ =	shalt  }
0x60: {  	_ =	shalt  }
0x61: {  	_ =	shalt  }
0x62: {  	_ =	shalt  }
0x63: {  	_ =	shalt  }
0x64: {  	_ =	shalt  }
0x65: {  	_ =	shalt  }
0x66: {  	_ =	shalt  }
0x67: {  	_ =	shalt  }
0x68: {  	_ =	shalt  }
0x69: {  	_ =	shalt  }
0x6a: {  	_ =	shalt  }
0x6b: {  	_ =	shalt  }
0x6c: {  	_ =	shalt  }
0x6d: {  	_ =	shalt  }
0x6e: {  	_ =	shalt  }
0x6f: {  	_ =	shalt  }
0x70: {  	_ =	shalt  }
0x71: {  	_ =	shalt  }
0x72: {  	_ =	shalt  }
0x73: {  	_ =	shalt  }
0x74: {  	_ =	shalt  }
0x75: {  	_ =	shalt  }
0x76: {  	_ =	shalt  }
0x77: {  	_ =	shalt  }
0x78: {  	_ =	shalt  }
0x79: {  	_ =	shalt  }
0x7a: {  	_ =	shalt  }
0x7b: {  	_ =	shalt  }
0x7c: {  	_ =	shalt  }
0x7d: {  	_ =	shalt  }
0x7e: {  	_ =	shalt  }
0x7f: {  	_ =	shalt  }
0x80: {  	_ =	shalt  }
0x81: {  	_ =	shalt  }
0x82: {  	_ =	shalt  }
0x83: {  	_ =	shalt  }
0x84: {  	_ =	shalt  }
0x85: {  	_ =	shalt  }
0x86: {  	_ =	shalt  }
0x87: {  	_ =	shalt  }
.Lfunc_end0:
.L_simem_size_0:
called_computation.1_lowered:
.L_overlay_start_0:
0x88: {  	s2 =	sld [smem:$0x3FD9]  }
0x89: {  	s3 =	sld [smem:$0x3FFE];
	_ =	sdelay $0x1  }
0x8a: {  	s1 =	srdreg.scid  }
0x8b: {  	s0 =	sand.u32 $0x1, s1  }
0x8c: {  	s17 =	sshll.u32 s0, $0xA;
	s2 =	sadd.s32 s3, s2  }
0x8d: {  	s2 =	sadd.s32 s2, s17  }
0x8e: {  	[smem:$0x3FBE] =	sst s2  }
0x8f: {  	_ = 	snop  }
0x90: {  	s18 =	sld [smem:$0x3FC9]  }
0x91: {  	s5 =	sld [smem:$0x3FC5]  }
0x92: {  	s4 =	sld [smem:$0x3FD0];
	(tm) =	ssettm $0x1  }
0x93: {  	s19 =	sld [smem:$0x3FFB];
	_ =	sdelay $0x3  }
0x94: {  	_ =	strace s19  }
0x95: {  	s2 =	sld [smem:$0x3FFC];
	_ =	sdelay $0x3  }
0x96: {  	_ =	strace s2  }
0x97: {  	s2 =	sld [smem:$0x3FFD];
	_ =	sdelay $0x3  }
0x98: {  	_ =	strace s2  }
0x99: {  	_ =	strace $0x8FFFFFFF  }
0x9a: {  	s20 =	sld [smem:$0x3FDB];
	_ =	sdelay $0x1  }
0x9b: {  	s6 =	simm.s32 $_scs_section_size  }
0x9c: {  	s7 =	simm.s32 $_size__tile_overlayer_lowered;
	s8 =	simm.s32 $_tile_overlayer_lowered  }
0x9d: {  	s9 =	simm.s32 $0x1BFF;
	s21 =	sshll.u32 s8, $0x1;
	s6 =	sadd.s32 s6, s20  }
0x9e: {  	s22 =	simm.s32 $0x0;
	s7 =	sshll.u32 s7, $0x1;
	s8 =	sadd.s32 s21, s6  }
0x9f: {  	[timem:s22], [sflag:s9] =	dma.local [hbm:s8], s7  }
0xa0: {  	_ =	swait.ge [sflag:s9], s7  }
0xa1: {  	s7 =	ssub.s32 $0x0, s7;
	[sflag:s9] =	ssyncset.done $0x0  }
0xa2: {  	[sflag:s9] =	ssyncadd.s32 s7;
	_ =	sdelay $0x1  }
0xa3: {  	s23 =	simm.s32 $0x1B8B  }
0xa4: {  	_ =	swait.ge [sflag:s23], $0x1  }
0xa5: {  	[sflag:s23] =	ssyncset.done $0x0  }
0xa6: {  	[sflag:s23] =	ssyncadd.s32 $0xFFFFFFFF  }
0xa7: {  	s7 =	sld [smem:$0x0]  }
0xa8: {  	s8 =	sand.u32 $0xFFFFFFFE, s1  }
0xa9: {  	p0 =	sne.s32 s1, s8  }
0xaa: {  	s8 =	sshll.u32 @p0 s8, $0xE  }
0xab: {  	s8 =	sadd.s32 @p0 $0x11B8D, s8;
	s9 =	sshll.u32 @p0 s7, $0x11  }
0xac: {  	s8 =	sor.u32 @p0 s9, s8  }
0xad: {  	[sflag:s8] =	ssyncadd.remote.s32 @p0 $0x1;
	_ =	sdelay $0x1  }
0xae: {  	s8 =	simm.s32 @p0 $0x1B8D  }
0xaf: {  	_ =	swait.eq @p0 [sflag:s8], $0x1  }
0xb0: {  	[sflag:s8] =	ssyncadd.s32 @p0 $0xFFFFFFFF  }
0xb1: {  	s9 =	sshll.u32 @!p0 s1, $0xE  }
0xb2: {  	s9 =	sor.u32 @!p0 $0x4000, s9;
	s8 =	simm.s32 @!p0 $0x1B8D  }
0xb3: {  	s7 =	sshll.u32 @!p0 s7, $0x11;
	s9 =	sadd.s32 @!p0 $0x11B8D, s9;
	_ =	swait.eq @!p0 [sflag:s8], $0x1  }
0xb4: {  	s7 =	sor.u32 @!p0 s7, s9;
	[sflag:s8] =	ssyncadd.s32 @!p0 $0xFFFFFFFF  }
0xb5: {  	s25 =	simm.s32 $0x1B8E;
	s24 =	sld [smem:$0x3FFE];
	[sflag:s7] =	ssyncadd.remote.s32 @!p0 $0x1  }
0xb6: {  	s26 =	simm.s32 $execute0_lowered;
	[smem:$0x3FD2] =	sst s25  }
0xb7: {  	s8 =	sshll.u32 s26, $0x1;
	_ =	strace $0x80000049;
	[dreg:$0x1] =	wrdreg $0xFFFFFFFF  }
0xb8: {  	s28 =	simm.s32 $_size_execute0_lowered;
	s6 =	sadd.s32 s6, s8;
	[dreg:$0x0] =	wrdreg $0x0  }
0xb9: {  	s8 =	sshll.u32 s28, $0x1;
	[dreg:$0x2] =	wrdreg s6  }
0xba: {  	[dreg:$0x3] =	wrdreg s8  }
0xbb: {  	[dreg:$0x4] =	wrdreg $0xC0  }
0xbc: {  	_ =	task [dreg:s22], $0x5FFFF  }
0xbd: {  	[dreg:$0x1] =	wrdreg $0xFFFFFFFF  }
0xbe: {  	[dreg:$0x0] =	wrdreg $0x60  }
0xbf: {  	[dreg:$0x2] =	wrdreg s5  }
0xc0: {  	[dreg:$0x3] =	wrdreg s24  }
0xc1: {  	[dreg:$0x4] =	wrdreg s18  }
0xc2: {  	[dreg:$0x5] =	wrdreg s4  }
0xc3: {  	[dreg:$0x6] =	wrdreg $0xA  }
0xc4: {  	_ =	task.clear_ibuf [dreg:s22], $0x7FFFF;
	_ =	strace $0x90000049  }
0xc5: {  	s29 =	simm.s32 $0xA;
	_ =	strace $0x8000004B  }
0xc6: {  	_ =	swait.ge [sflag:s29], $0x1  }
0xc7: {  	[sflag:s29] =	ssyncadd.s32 $0xFFFFFFFF  }
0xc8: {  	_ =	strace $0x9000004B  }
0xc9: {  	_ =	sfence  }
0xca: {  	s30 =	sld [smem:$0x0];
	_ =	sdelay $0x2  }
0xcb: {  	s31 =	sshll.u32 s1, $0xD;
	s1 =	sshrl.u32 s1, $0x2  }
0xcc: {  	s4 =	sand.u32 $0x4000, s31;
	s1 =	sadd.s32 s1, s30  }
0xcd: {  	s0 =	sor.u32 s4, s0;
	s1 =	sshll.u32 s1, $0x11  }
0xce: {  	s0 =	sor.u32 s1, s0  }
0xcf: {  	s0 =	sadd.s32 $0x8F2B, s0  }
0xd0: {  	[sflag:s0] =	ssyncadd.remote.s32 $0x1  }
0xd1: {  	_ =	sfence.sel $0xFFFF  }
0xd2: {  	[dreg:$0x0] =	wrdreg $0xFFFFFFFF;
	(pc) =	sbr.abs _section_cstart, $3  }
0xd3: {  	[dreg:$0x1] =	wrdreg $0xFFFFFFFF  }
0xd4: {  	_ =	task.clear_ibuf [dreg:s22], $0x2FFFF;
	_ =	strace $0x9FFFFFFF  }
0xd5: {  	(tm) =	ssettm $0x7FFFFFFF  }
tec
execute0_lowered:
.L_overlay_start_1:
0x0: {  	(tag) =	ssettag $0x1  }
0x1: {  	s1 =	rddreg [dreg:$0x0]  }
0x2: {  	s2 =	srdreg.scid;
	s0 =	stileid.u32  }
0x3: {  	s4 =	rddreg [dreg:$0x1];
	s2 =	sand.u32 $0x1, s2;
	s3 =	sshll.u32 s0, $0x1  }
0x4: {  	s5 =	rddreg [dreg:$0x2];
	s7 =	sor.u32 s2, s3  }
0x5: {  	s6 =	rddreg [dreg:$0x3];
	s3 =	simm.s32 $0x0;
	s8 =	sshll.u32 s7, $0x8  }
0x6: {  	[smem:$0x7FF] =	sst s3;
	s9 =	sshll.u32 s7, $0xF;
	s12 =	sshll.u32 s7, $0x4  }
0x7: {  	s14 =	sshll.u32 s7, $0xB;
	s8 =	sadd.s32 s8, s4;
	s13 =	sadd.s32 s5, s12  }
0x8: {  	_ =	strace $0x8000004A;
	s15 =	sadd.s32 s6, s14;
	[dreg:$0x7] =	wrdreg s13  }
0x9: {  	s30 =	sadd.s32 s9, s4;
	s10 =	sadd.s32 $0x104600, s8;
	[dreg:$0x8] =	wrdreg s15  }
0xa: {  	s11 =	sadd.s32 $0x106600, s30;
	[dreg:$0x5] =	wrdreg s10  }
0xb: {  	s16 =	sadd.s32 $0x106E00, s30;
	[dreg:$0x6] =	wrdreg s11  }
0xc: {  	s17 =	sadd.s32 $0x107600, s30;
	[dreg:$0x9] =	wrdreg s16  }
0xd: {  	s18 =	sadd.s32 $0x107E00, s30;
	[dreg:$0xa] =	wrdreg s17  }
0xe: {  	s19 =	sadd.s32 $0x108600, s30;
	[dreg:$0xb] =	wrdreg s18  }
0xf: {  	s20 =	sadd.s32 $0x108E00, s30;
	[dreg:$0xc] =	wrdreg s19  }
0x10: {  	s21 =	sadd.s32 $0x109600, s30;
	[dreg:$0xd] =	wrdreg s20  }
0x11: {  	s22 =	sadd.s32 $0x109E00, s30;
	[dreg:$0xe] =	wrdreg s21  }
0x12: {  	s23 =	sadd.s32 $0x10A600, s30;
	[dreg:$0xf] =	wrdreg s22  }
0x13: {  	s25 =	sadd.s32 $0x10AE00, s30;
	[dreg:$0x10] =	wrdreg s23  }
0x14: {  	[dreg:$0x11] =	wrdreg s25  }
0x15: {  	s4 =	simm.s32 $0x3;
	s24 =	rddreg [dreg:$0x5]  }
0x16: {  	[tilespmem:s3], [sflag:$0x3] =	stream.linear.gather [hbm4b:s24+s3], $0x800, $0x38;
	[tilespmem:$0x8880] =	vst v63  }
0x17: {  	_ =	swait.ge [sflag:s4], $0x800  }
0x18: {  	[sflag:s4] =	ssyncset.done $0x0  }
0x19: {  	s5 =	simm.s32 $0x80;
	s6 =	simm.s32 $0x800;
	[sflag:s4] =	ssyncadd.s32 $0xFFFFF800  }
0x1a: {  	[tilespmem:s6], [sflag:$0x1] =	stream.indirect.gather [hbm4b:s1+s5], $0x80, s3, s5, $0xb8;
	[tilespmem:$0x8880] =	vst v63  }
0x1b: {  	s7 =	simm.s32 $0x4800;
	s8 =	simm.s32 $0x1  }
0x1c: {  	[tilespmem:s7], [sflag:$0x2] =	stream.indirect.gather [hbm4b:s1+s5], $0x80, s5, s5, $0xb8;
	[tilespmem:$0x8880] =	vst v63  }
0x1d: {  	_ =	swait.ge [sflag:s8], $0x4000  }
0x1e: {  	[sflag:s8] =	ssyncset.done $0x0  }
0x1f: {  	s26 =	rddreg [dreg:$0x6];
	[sflag:s8] =	ssyncadd.s32 $0xFFFFC000  }
0x20: {  	[hbm4b:s26+s3] =	stream.linear.scatter [tilespmem:s6], [sflag:$0x3], $0x4000, $0x38;
	[tilespmem:$0x8880] =	vst v63  }
0x21: {  	_ =	swait.ge [sflag:s4], $0x4000  }
0x22: {  	[sflag:s4] =	ssyncset.done $0x0  }
0x23: {  	s9 =	simm.s32 $0x100;
	s10 =	simm.s32 $0x2;
	[sflag:s4] =	ssyncadd.s32 $0xFFFFC000  }
0x24: {  	[tilespmem:s6], [sflag:$0x1] =	stream.indirect.gather [hbm4b:s1+s5], $0x80, s9, s5, $0xb8;
	[tilespmem:$0x8880] =	vst v63  }
0x25: {  	_ =	swait.ge [sflag:s10], $0x4000  }
0x26: {  	[sflag:s10] =	ssyncset.done $0x0  }
0x27: {  	s11 =	rddreg [dreg:$0x9];
	[sflag:s10] =	ssyncadd.s32 $0xFFFFC000  }
0x28: {  	[hbm4b:s11+s3] =	stream.linear.scatter [tilespmem:s7], [sflag:$0x3], $0x4000, $0x38;
	[tilespmem:$0x8880] =	vst v63  }
0x29: {  	_ =	swait.ge [sflag:s4], $0x4000  }
0x2a: {  	[sflag:s4] =	ssyncset.done $0x0  }
0x2b: {  	s11 =	simm.s32 $0x180;
	[sflag:s4] =	ssyncadd.s32 $0xFFFFC000  }
0x2c: {  	[tilespmem:s7], [sflag:$0x2] =	stream.indirect.gather [hbm4b:s1+s5], $0x80, s11, s5, $0xb8;
	[tilespmem:$0x8880] =	vst v63  }
0x2d: {  	_ =	swait.ge [sflag:s8], $0x4000  }
0x2e: {  	[sflag:s8] =	ssyncset.done $0x0  }
0x2f: {  	s12 =	rddreg [dreg:$0xa];
	[sflag:s8] =	ssyncadd.s32 $0xFFFFC000  }
0x30: {  	[hbm4b:s12+s3] =	stream.linear.scatter [tilespmem:s6], [sflag:$0x3], $0x4000, $0x38;
	[tilespmem:$0x8880] =	vst v63  }
0x31: {  	_ =	swait.ge [sflag:s4], $0x4000  }
0x32: {  	[sflag:s4] =	ssyncset.done $0x0  }
0x33: {  	s12 =	simm.s32 $0x200;
	[sflag:s4] =	ssyncadd.s32 $0xFFFFC000  }
0x34: {  	[tilespmem:s6], [sflag:$0x1] =	stream.indirect.gather [hbm4b:s1+s5], $0x80, s12, s5, $0xb8;
	[tilespmem:$0x8880] =	vst v63  }
0x35: {  	_ =	swait.ge [sflag:s10], $0x4000  }
0x36: {  	[sflag:s10] =	ssyncset.done $0x0  }
0x37: {  	s13 =	rddreg [dreg:$0xb];
	[sflag:s10] =	ssyncadd.s32 $0xFFFFC000  }
0x38: {  	[hbm4b:s13+s3] =	stream.linear.scatter [tilespmem:s7], [sflag:$0x3], $0x4000, $0x38;
	[tilespmem:$0x8880] =	vst v63  }
0x39: {  	_ =	swait.ge [sflag:s4], $0x4000  }
0x3a: {  	[sflag:s4] =	ssyncset.done $0x0  }
0x3b: {  	s13 =	simm.s32 $0x280;
	[sflag:s4] =	ssyncadd.s32 $0xFFFFC000  }
0x3c: {  	[tilespmem:s7], [sflag:$0x2] =	stream.indirect.gather [hbm4b:s1+s5], $0x80, s13, s5, $0xb8;
	[tilespmem:$0x8880] =	vst v63  }
0x3d: {  	_ =	swait.ge [sflag:s8], $0x4000  }
0x3e: {  	[sflag:s8] =	ssyncset.done $0x0  }
0x3f: {  	s14 =	rddreg [dreg:$0xc];
	[sflag:s8] =	ssyncadd.s32 $0xFFFFC000  }
0x40: {  	[hbm4b:s14+s3] =	stream.linear.scatter [tilespmem:s6], [sflag:$0x3], $0x4000, $0x38;
	[tilespmem:$0x8880] =	vst v63  }
0x41: {  	_ =	swait.ge [sflag:s4], $0x4000  }
0x42: {  	[sflag:s4] =	ssyncset.done $0x0  }
0x43: {  	s14 =	simm.s32 $0x300;
	[sflag:s4] =	ssyncadd.s32 $0xFFFFC000  }
0x44: {  	[tilespmem:s6], [sflag:$0x1] =	stream.indirect.gather [hbm4b:s1+s5], $0x80, s14, s5, $0xb8;
	[tilespmem:$0x8880] =	vst v63  }
0x45: {  	_ =	swait.ge [sflag:s10], $0x4000  }
0x46: {  	[sflag:s10] =	ssyncset.done $0x0  }
0x47: {  	s15 =	rddreg [dreg:$0xd];
	[sflag:s10] =	ssyncadd.s32 $0xFFFFC000  }
0x48: {  	[hbm4b:s15+s3] =	stream.linear.scatter [tilespmem:s7], [sflag:$0x3], $0x4000, $0x38;
	[tilespmem:$0x8880] =	vst v63  }
0x49: {  	_ =	swait.ge [sflag:s4], $0x4000  }
0x4a: {  	[sflag:s4] =	ssyncset.done $0x0  }
0x4b: {  	s15 =	simm.s32 $0x380;
	[sflag:s4] =	ssyncadd.s32 $0xFFFFC000  }
0x4c: {  	[tilespmem:s7], [sflag:$0x2] =	stream.indirect.gather [hbm4b:s1+s5], $0x80, s15, s5, $0xb8;
	[tilespmem:$0x8880] =	vst v63  }
0x4d: {  	_ =	swait.ge [sflag:s8], $0x4000  }
0x4e: {  	[sflag:s8] =	ssyncset.done $0x0  }
0x4f: {  	s16 =	rddreg [dreg:$0xe];
	[sflag:s8] =	ssyncadd.s32 $0xFFFFC000  }
0x50: {  	[hbm4b:s16+s3] =	stream.linear.scatter [tilespmem:s6], [sflag:$0x3], $0x4000, $0x38;
	[tilespmem:$0x8880] =	vst v63  }
0x51: {  	_ =	swait.ge [sflag:s4], $0x4000  }
0x52: {  	[sflag:s4] =	ssyncset.done $0x0  }
0x53: {  	s16 =	simm.s32 $0x400;
	[sflag:s4] =	ssyncadd.s32 $0xFFFFC000  }
0x54: {  	[tilespmem:s6], [sflag:$0x1] =	stream.indirect.gather [hbm4b:s1+s5], $0x80, s16, s5, $0xb8;
	[tilespmem:$0x8880] =	vst v63  }
0x55: {  	_ =	swait.ge [sflag:s10], $0x4000  }
0x56: {  	[sflag:s10] =	ssyncset.done $0x0  }
0x57: {  	s17 =	rddreg [dreg:$0xf];
	[sflag:s10] =	ssyncadd.s32 $0xFFFFC000  }
0x58: {  	[hbm4b:s17+s3] =	stream.linear.scatter [tilespmem:s7], [sflag:$0x3], $0x4000, $0x38;
	[tilespmem:$0x8880] =	vst v63  }
0x59: {  	_ =	swait.ge [sflag:s4], $0x4000  }
0x5a: {  	[sflag:s4] =	ssyncset.done $0x0  }
0x5b: {  	s17 =	simm.s32 $0x480;
	[sflag:s4] =	ssyncadd.s32 $0xFFFFC000  }
0x5c: {  	[tilespmem:s7], [sflag:$0x2] =	stream.indirect.gather [hbm4b:s1+s5], $0x80, s17, s5, $0xb8;
	[tilespmem:$0x8880] =	vst v63  }
0x5d: {  	_ =	swait.ge [sflag:s8], $0x4000  }
0x5e: {  	[sflag:s8] =	ssyncset.done $0x0  }
0x5f: {  	s18 =	rddreg [dreg:$0x10];
	[sflag:s8] =	ssyncadd.s32 $0xFFFFC000  }
0x60: {  	[hbm4b:s18+s3] =	stream.linear.scatter [tilespmem:s6], [sflag:$0x3], $0x4000, $0x38;
	[tilespmem:$0x8880] =	vst v63  }
0x61: {  	_ =	swait.ge [sflag:s4], $0x4000  }
0x62: {  	[sflag:s4] =	ssyncset.done $0x0  }
0x63: {  	s18 =	simm.s32 $0x500;
	[sflag:s4] =	ssyncadd.s32 $0xFFFFC000  }
0x64: {  	[tilespmem:s6], [sflag:$0x1] =	stream.indirect.gather [hbm4b:s1+s5], $0x80, s18, s5, $0xb8;
	[tilespmem:$0x8880] =	vst v63  }
0x65: {  	_ =	swait.ge [sflag:s10], $0x4000  }
0x66: {  	[sflag:s10] =	ssyncset.done $0x0  }
0x67: {  	s19 =	rddreg [dreg:$0x11];
	[sflag:s10] =	ssyncadd.s32 $0xFFFFC000  }
0x68: {  	[hbm4b:s19+s3] =	stream.linear.scatter [tilespmem:s7], [sflag:$0x3], $0x4000, $0x38;
	[tilespmem:$0x8880] =	vst v63  }
0x69: {  	_ =	swait.ge [sflag:s4], $0x4000  }
0x6a: {  	[sflag:s4] =	ssyncset.done $0x0  }
0x6b: {  	s19 =	simm.s32 $0x580;
	[sflag:s4] =	ssyncadd.s32 $0xFFFFC000  }
0x6c: {  	[tilespmem:s7], [sflag:$0x2] =	stream.indirect.gather [hbm4b:s1+s5], $0x80, s19, s5, $0xb8;
	[tilespmem:$0x8880] =	vst v63  }
0x6d: {  	_ =	swait.ge [sflag:s8], $0x4000  }
0x6e: {  	[sflag:s8] =	ssyncset.done $0x0  }
0x6f: {  	s20 =	sadd.s32 $0x10B600, s30;
	[sflag:s8] =	ssyncadd.s32 $0xFFFFC000  }
0x70: {  	[hbm4b:s20+s3] =	stream.linear.scatter [tilespmem:s6], [sflag:$0x3], $0x4000, $0x38;
	[tilespmem:$0x8880] =	vst v63  }
0x71: {  	_ =	swait.ge [sflag:s4], $0x4000  }
0x72: {  	[sflag:s4] =	ssyncset.done $0x0  }
0x73: {  	s21 =	simm.s32 $0x600;
	[sflag:s4] =	ssyncadd.s32 $0xFFFFC000  }
0x74: {  	[tilespmem:s6], [sflag:$0x1] =	stream.indirect.gather [hbm4b:s1+s5], $0x80, s21, s5, $0xb8;
	[tilespmem:$0x8880] =	vst v63  }
0x75: {  	_ =	swait.ge [sflag:s10], $0x4000  }
0x76: {  	[sflag:s10] =	ssyncset.done $0x0  }
0x77: {  	s22 =	sadd.s32 $0x10BE00, s30;
	[sflag:s10] =	ssyncadd.s32 $0xFFFFC000  }
0x78: {  	[hbm4b:s22+s3] =	stream.linear.scatter [tilespmem:s7], [sflag:$0x3], $0x4000, $0x38;
	[tilespmem:$0x8880] =	vst v63  }
0x79: {  	_ =	swait.ge [sflag:s4], $0x4000  }
0x7a: {  	[sflag:s4] =	ssyncset.done $0x0  }
0x7b: {  	s23 =	simm.s32 $0x680;
	[sflag:s4] =	ssyncadd.s32 $0xFFFFC000  }
0x7c: {  	[tilespmem:s7], [sflag:$0x2] =	stream.indirect.gather [hbm4b:s1+s5], $0x80, s23, s5, $0xb8;
	[tilespmem:$0x8880] =	vst v63  }
0x7d: {  	_ =	swait.ge [sflag:s8], $0x4000  }
0x7e: {  	[sflag:s8] =	ssyncset.done $0x0  }
0x7f: {  	s24 =	sadd.s32 $0x10C600, s30;
	[sflag:s8] =	ssyncadd.s32 $0xFFFFC000  }
0x80: {  	[hbm4b:s24+s3] =	stream.linear.scatter [tilespmem:s6], [sflag:$0x3], $0x4000, $0x38;
	[tilespmem:$0x8880] =	vst v63  }
0x81: {  	_ =	swait.ge [sflag:s4], $0x4000  }
0x82: {  	[sflag:s4] =	ssyncset.done $0x0  }
0x83: {  	s25 =	simm.s32 $0x700;
	[sflag:s4] =	ssyncadd.s32 $0xFFFFC000  }
0x84: {  	[tilespmem:s6], [sflag:$0x1] =	stream.indirect.gather [hbm4b:s1+s5], $0x80, s25, s5, $0xb8;
	[tilespmem:$0x8880] =	vst v63  }
0x85: {  	_ =	swait.ge [sflag:s10], $0x4000  }
0x86: {  	[sflag:s10] =	ssyncset.done $0x0  }
0x87: {  	s26 =	sadd.s32 $0x10CE00, s30;
	[sflag:s10] =	ssyncadd.s32 $0xFFFFC000  }
0x88: {  	[hbm4b:s26+s3] =	stream.linear.scatter [tilespmem:s7], [sflag:$0x3], $0x4000, $0x38;
	[tilespmem:$0x8880] =	vst v63  }
0x89: {  	_ =	swait.ge [sflag:s4], $0x4000  }
0x8a: {  	[sflag:s4] =	ssyncset.done $0x0  }
0x8b: {  	s28 =	simm.s32 $0x780;
	[sflag:s4] =	ssyncadd.s32 $0xFFFFC000  }
0x8c: {  	[tilespmem:s7], [sflag:$0x2] =	stream.indirect.gather [hbm4b:s1+s5], $0x80, s28, s5, $0xb8;
	[tilespmem:$0x8880] =	vst v63  }
0x8d: {  	_ =	swait.ge [sflag:s8], $0x4000  }
0x8e: {  	[sflag:s8] =	ssyncset.done $0x0  }
0x8f: {  	s29 =	sadd.s32 $0x10D600, s30;
	[sflag:s8] =	ssyncadd.s32 $0xFFFFC000  }
0x90: {  	[hbm4b:s29+s3] =	stream.linear.scatter [tilespmem:s6], [sflag:$0x3], $0x4000, $0x38;
	[tilespmem:$0x8880] =	vst v63  }
0x91: {  	_ =	swait.ge [sflag:s4], $0x4000  }
0x92: {  	[sflag:s4] =	ssyncset.done $0x0  }
0x93: {  	[sflag:s4] =	ssyncadd.s32 $0xFFFFC000  }
0x94: {  	_ =	swait.ge [sflag:s10], $0x4000  }
0x95: {  	[sflag:s10] =	ssyncset.done $0x0  }
0x96: {  	s30 =	sadd.s32 $0x10DE00, s30;
	[sflag:s10] =	ssyncadd.s32 $0xFFFFC000  }
0x97: {  	[hbm4b:s30+s3] =	stream.linear.scatter [tilespmem:s7], [sflag:$0x3], $0x4000, $0x38;
	[tilespmem:$0x8880] =	vst v63  }
0x98: {  	_ =	swait.ge [sflag:s4], $0x4000  }
0x99: {  	[sflag:s4] =	ssyncset.done $0x0  }
0x9a: {  	s31 =	simm.s32 $0x8800;
	s0 =	rddreg [dreg:$0x7];
	[sflag:s4] =	ssyncadd.s32 $0xFFFFC000  }
0x9b: {  	[tilespmem:s31], [sflag:$0x3] =	stream.linear.gather [hbm4b:s0+s3], $0x80, $0x38;
	[tilespmem:$0x8880] =	vst v63  }
0x9c: {  	_ =	swait.ge [sflag:s4], $0x80  }
0x9d: {  	[sflag:s4] =	ssyncset.done $0x0  }
0x9e: {  	[sflag:s4] =	ssyncadd.s32 $0xFFFFFF80  }
0x9f: {  	[tilespmem:s6], [sflag:$0x1] =	stream.indirect.gather [hbm4b:s1+s5], $0x80, s31, s5, $0xb8;
	[tilespmem:$0x8880] =	vst v63  }
0xa0: {  	_ =	swait.ge [sflag:s8], $0x4000  }
0xa1: {  	s0 =	ssub.s32 $0x2, s2;
	s2 =	rddreg [dreg:$0x8]  }
0xa2: {  	[dreg:$0x12] =	wrdreg s2;
	s2 =	sshrl.u32 s0, $0x1  }
0xa3: {  	s0 =	ssub.s32 s0, s2  }
0xa4: {  	s0 =	smax.u32 s0, $0x1  }
0xa5: {  	p0 =	sne.s32 s0, $0x1  }
.Ltmp0:
0xa6: {  	_ = 	snop;
	(pc) =	sbr.rel @!p0 .LBB2_2-.Ltmp0, $4  }
0xa7: {  	[sflag:s8] =	ssyncset.done $0x0  }
0xa8: {  	[sflag:s8] =	ssyncadd.s32 $0xFFFFC000;
	s2 =	rddreg [dreg:$0x12]  }
0xa9: {  	[hbm4b:s2+s3] =	stream.linear.scatter [tilespmem:s6], [sflag:$0x3], $0x4000, $0x38;
	[tilespmem:$0x8880] =	vst v63  }
0xaa: {  	s2 =	sadd.s32 $0xFFFFFFFF, s0;
	_ =	swait.ge [sflag:s4], $0x4000  }
.LBB2_1:
0xab: {  	[sflag:s4] =	ssyncset.done $0x0  }
0xac: {  	s0 =	rddreg [dreg:$0x5];
	[sflag:s4] =	ssyncadd.s32 $0xFFFFC000  }
0xad: {  	[tilespmem:s3], [sflag:$0x3] =	stream.linear.gather [hbm4b:s0+s3], $0x800, $0x38;
	[tilespmem:$0x8880] =	vst v63  }
0xae: {  	_ =	swait.ge [sflag:s4], $0x800  }
0xaf: {  	[sflag:s4] =	ssyncset.done $0x0  }
0xb0: {  	[sflag:s4] =	ssyncadd.s32 $0xFFFFF800  }
0xb1: {  	[tilespmem:s6], [sflag:$0x1] =	stream.indirect.gather [hbm4b:s1+s5], $0x80, s3, s5, $0xb8;
	[tilespmem:$0x8880] =	vst v63  }
0xb2: {  	_ = 	snop  }
0xb3: {  	[tilespmem:s7], [sflag:$0x2] =	stream.indirect.gather [hbm4b:s1+s5], $0x80, s5, s5, $0xb8;
	[tilespmem:$0x8880] =	vst v63  }
0xb4: {  	_ =	swait.ge [sflag:s8], $0x4000  }
0xb5: {  	[sflag:s8] =	ssyncset.done $0x0  }
0xb6: {  	s0 =	rddreg [dreg:$0x6];
	[sflag:s8] =	ssyncadd.s32 $0xFFFFC000  }
0xb7: {  	[hbm4b:s0+s3] =	stream.linear.scatter [tilespmem:s6], [sflag:$0x3], $0x4000, $0x38;
	[tilespmem:$0x8880] =	vst v63  }
0xb8: {  	_ =	swait.ge [sflag:s4], $0x4000  }
0xb9: {  	[sflag:s4] =	ssyncset.done $0x0  }
0xba: {  	[sflag:s4] =	ssyncadd.s32 $0xFFFFC000  }
0xbb: {  	[tilespmem:s6], [sflag:$0x1] =	stream.indirect.gather [hbm4b:s1+s5], $0x80, s9, s5, $0xb8;
	[tilespmem:$0x8880] =	vst v63  }
0xbc: {  	_ =	swait.ge [sflag:s10], $0x4000  }
0xbd: {  	[sflag:s10] =	ssyncset.done $0x0  }
0xbe: {  	s0 =	rddreg [dreg:$0x9];
	[sflag:s10] =	ssyncadd.s32 $0xFFFFC000  }
0xbf: {  	[hbm4b:s0+s3] =	stream.linear.scatter [tilespmem:s7], [sflag:$0x3], $0x4000, $0x38;
	[tilespmem:$0x8880] =	vst v63  }
0xc0: {  	_ =	swait.ge [sflag:s4], $0x4000  }
0xc1: {  	[sflag:s4] =	ssyncset.done $0x0  }
0xc2: {  	[sflag:s4] =	ssyncadd.s32 $0xFFFFC000  }
0xc3: {  	[tilespmem:s7], [sflag:$0x2] =	stream.indirect.gather [hbm4b:s1+s5], $0x80, s11, s5, $0xb8;
	[tilespmem:$0x8880] =	vst v63  }
0xc4: {  	_ =	swait.ge [sflag:s8], $0x4000  }
0xc5: {  	[sflag:s8] =	ssyncset.done $0x0  }
0xc6: {  	s0 =	rddreg [dreg:$0xa];
	[sflag:s8] =	ssyncadd.s32 $0xFFFFC000  }
0xc7: {  	[hbm4b:s0+s3] =	stream.linear.scatter [tilespmem:s6], [sflag:$0x3], $0x4000, $0x38;
	[tilespmem:$0x8880] =	vst v63  }
0xc8: {  	_ =	swait.ge [sflag:s4], $0x4000  }
0xc9: {  	[sflag:s4] =	ssyncset.done $0x0  }
0xca: {  	[sflag:s4] =	ssyncadd.s32 $0xFFFFC000  }
0xcb: {  	[tilespmem:s6], [sflag:$0x1] =	stream.indirect.gather [hbm4b:s1+s5], $0x80, s12, s5, $0xb8;
	[tilespmem:$0x8880] =	vst v63  }
0xcc: {  	_ =	swait.ge [sflag:s10], $0x4000  }
0xcd: {  	[sflag:s10] =	ssyncset.done $0x0  }
0xce: {  	s0 =	rddreg [dreg:$0xb];
	[sflag:s10] =	ssyncadd.s32 $0xFFFFC000  }
0xcf: {  	[hbm4b:s0+s3] =	stream.linear.scatter [tilespmem:s7], [sflag:$0x3], $0x4000, $0x38;
	[tilespmem:$0x8880] =	vst v63  }
0xd0: {  	_ =	swait.ge [sflag:s4], $0x4000  }
0xd1: {  	[sflag:s4] =	ssyncset.done $0x0  }
0xd2: {  	[sflag:s4] =	ssyncadd.s32 $0xFFFFC000  }
0xd3: {  	[tilespmem:s7], [sflag:$0x2] =	stream.indirect.gather [hbm4b:s1+s5], $0x80, s13, s5, $0xb8;
	[tilespmem:$0x8880] =	vst v63  }
0xd4: {  	_ =	swait.ge [sflag:s8], $0x4000  }
0xd5: {  	[sflag:s8] =	ssyncset.done $0x0  }
0xd6: {  	s0 =	rddreg [dreg:$0xc];
	[sflag:s8] =	ssyncadd.s32 $0xFFFFC000  }
0xd7: {  	[hbm4b:s0+s3] =	stream.linear.scatter [tilespmem:s6], [sflag:$0x3], $0x4000, $0x38;
	[tilespmem:$0x8880] =	vst v63  }
0xd8: {  	_ =	swait.ge [sflag:s4], $0x4000  }
0xd9: {  	[sflag:s4] =	ssyncset.done $0x0  }
0xda: {  	[sflag:s4] =	ssyncadd.s32 $0xFFFFC000  }
0xdb: {  	[tilespmem:s6], [sflag:$0x1] =	stream.indirect.gather [hbm4b:s1+s5], $0x80, s14, s5, $0xb8;
	[tilespmem:$0x8880] =	vst v63  }
0xdc: {  	_ =	swait.ge [sflag:s10], $0x4000  }
0xdd: {  	[sflag:s10] =	ssyncset.done $0x0  }
0xde: {  	s0 =	rddreg [dreg:$0xd];
	[sflag:s10] =	ssyncadd.s32 $0xFFFFC000  }
0xdf: {  	[hbm4b:s0+s3] =	stream.linear.scatter [tilespmem:s7], [sflag:$0x3], $0x4000, $0x38;
	[tilespmem:$0x8880] =	vst v63  }
0xe0: {  	_ =	swait.ge [sflag:s4], $0x4000  }
0xe1: {  	[sflag:s4] =	ssyncset.done $0x0  }
0xe2: {  	[sflag:s4] =	ssyncadd.s32 $0xFFFFC000  }
0xe3: {  	[tilespmem:s7], [sflag:$0x2] =	stream.indirect.gather [hbm4b:s1+s5], $0x80, s15, s5, $0xb8;
	[tilespmem:$0x8880] =	vst v63  }
0xe4: {  	_ =	swait.ge [sflag:s8], $0x4000  }
0xe5: {  	[sflag:s8] =	ssyncset.done $0x0  }
0xe6: {  	s0 =	rddreg [dreg:$0xe];
	[sflag:s8] =	ssyncadd.s32 $0xFFFFC000  }
0xe7: {  	[hbm4b:s0+s3] =	stream.linear.scatter [tilespmem:s6], [sflag:$0x3], $0x4000, $0x38;
	[tilespmem:$0x8880] =	vst v63  }
0xe8: {  	_ =	swait.ge [sflag:s4], $0x4000  }
0xe9: {  	[sflag:s4] =	ssyncset.done $0x0  }
0xea: {  	[sflag:s4] =	ssyncadd.s32 $0xFFFFC000  }
0xeb: {  	[tilespmem:s6], [sflag:$0x1] =	stream.indirect.gather [hbm4b:s1+s5], $0x80, s16, s5, $0xb8;
	[tilespmem:$0x8880] =	vst v63  }
0xec: {  	_ =	swait.ge [sflag:s10], $0x4000  }
0xed: {  	[sflag:s10] =	ssyncset.done $0x0  }
0xee: {  	s0 =	rddreg [dreg:$0xf];
	[sflag:s10] =	ssyncadd.s32 $0xFFFFC000  }
0xef: {  	[hbm4b:s0+s3] =	stream.linear.scatter [tilespmem:s7], [sflag:$0x3], $0x4000, $0x38;
	[tilespmem:$0x8880] =	vst v63  }
0xf0: {  	_ =	swait.ge [sflag:s4], $0x4000  }
0xf1: {  	[sflag:s4] =	ssyncset.done $0x0  }
0xf2: {  	[sflag:s4] =	ssyncadd.s32 $0xFFFFC000  }
0xf3: {  	[tilespmem:s7], [sflag:$0x2] =	stream.indirect.gather [hbm4b:s1+s5], $0x80, s17, s5, $0xb8;
	[tilespmem:$0x8880] =	vst v63  }
0xf4: {  	_ =	swait.ge [sflag:s8], $0x4000  }
0xf5: {  	[sflag:s8] =	ssyncset.done $0x0  }
0xf6: {  	s0 =	rddreg [dreg:$0x10];
	[sflag:s8] =	ssyncadd.s32 $0xFFFFC000  }
0xf7: {  	[hbm4b:s0+s3] =	stream.linear.scatter [tilespmem:s6], [sflag:$0x3], $0x4000, $0x38;
	[tilespmem:$0x8880] =	vst v63  }
0xf8: {  	_ =	swait.ge [sflag:s4], $0x4000  }
0xf9: {  	[sflag:s4] =	ssyncset.done $0x0  }
0xfa: {  	[sflag:s4] =	ssyncadd.s32 $0xFFFFC000  }
0xfb: {  	[tilespmem:s6], [sflag:$0x1] =	stream.indirect.gather [hbm4b:s1+s5], $0x80, s18, s5, $0xb8;
	[tilespmem:$0x8880] =	vst v63  }
0xfc: {  	_ =	swait.ge [sflag:s10], $0x4000  }
0xfd: {  	[sflag:s10] =	ssyncset.done $0x0  }
0xfe: {  	s0 =	rddreg [dreg:$0x11];
	[sflag:s10] =	ssyncadd.s32 $0xFFFFC000  }
0xff: {  	[hbm4b:s0+s3] =	stream.linear.scatter [tilespmem:s7], [sflag:$0x3], $0x4000, $0x38;
	[tilespmem:$0x8880] =	vst v63  }
0x100: {  	_ =	swait.ge [sflag:s4], $0x4000  }
0x101: {  	[sflag:s4] =	ssyncset.done $0x0  }
0x102: {  	[sflag:s4] =	ssyncadd.s32 $0xFFFFC000  }
0x103: {  	[tilespmem:s7], [sflag:$0x2] =	stream.indirect.gather [hbm4b:s1+s5], $0x80, s19, s5, $0xb8;
	[tilespmem:$0x8880] =	vst v63  }
0x104: {  	_ =	swait.ge [sflag:s8], $0x4000  }
0x105: {  	[sflag:s8] =	ssyncset.done $0x0  }
0x106: {  	[sflag:s8] =	ssyncadd.s32 $0xFFFFC000  }
0x107: {  	[hbm4b:s20+s3] =	stream.linear.scatter [tilespmem:s6], [sflag:$0x3], $0x4000, $0x38;
	[tilespmem:$0x8880] =	vst v63  }
0x108: {  	_ =	swait.ge [sflag:s4], $0x4000  }
0x109: {  	[sflag:s4] =	ssyncset.done $0x0  }
0x10a: {  	[sflag:s4] =	ssyncadd.s32 $0xFFFFC000  }
0x10b: {  	[tilespmem:s6], [sflag:$0x1] =	stream.indirect.gather [hbm4b:s1+s5], $0x80, s21, s5, $0xb8;
	[tilespmem:$0x8880] =	vst v63  }
0x10c: {  	_ =	swait.ge [sflag:s10], $0x4000  }
0x10d: {  	[sflag:s10] =	ssyncset.done $0x0  }
0x10e: {  	[sflag:s10] =	ssyncadd.s32 $0xFFFFC000  }
0x10f: {  	[hbm4b:s22+s3] =	stream.linear.scatter [tilespmem:s7], [sflag:$0x3], $0x4000, $0x38;
	[tilespmem:$0x8880] =	vst v63  }
0x110: {  	_ =	swait.ge [sflag:s4], $0x4000  }
0x111: {  	[sflag:s4] =	ssyncset.done $0x0  }
0x112: {  	[sflag:s4] =	ssyncadd.s32 $0xFFFFC000  }
0x113: {  	[tilespmem:s7], [sflag:$0x2] =	stream.indirect.gather [hbm4b:s1+s5], $0x80, s23, s5, $0xb8;
	[tilespmem:$0x8880] =	vst v63  }
0x114: {  	_ =	swait.ge [sflag:s8], $0x4000  }
0x115: {  	[sflag:s8] =	ssyncset.done $0x0  }
0x116: {  	[sflag:s8] =	ssyncadd.s32 $0xFFFFC000  }
0x117: {  	[hbm4b:s24+s3] =	stream.linear.scatter [tilespmem:s6], [sflag:$0x3], $0x4000, $0x38;
	[tilespmem:$0x8880] =	vst v63  }
0x118: {  	_ =	swait.ge [sflag:s4], $0x4000  }
0x119: {  	[sflag:s4] =	ssyncset.done $0x0  }
0x11a: {  	[sflag:s4] =	ssyncadd.s32 $0xFFFFC000  }
0x11b: {  	[tilespmem:s6], [sflag:$0x1] =	stream.indirect.gather [hbm4b:s1+s5], $0x80, s25, s5, $0xb8;
	[tilespmem:$0x8880] =	vst v63  }
0x11c: {  	_ =	swait.ge [sflag:s10], $0x4000  }
0x11d: {  	[sflag:s10] =	ssyncset.done $0x0  }
0x11e: {  	[sflag:s10] =	ssyncadd.s32 $0xFFFFC000  }
0x11f: {  	[hbm4b:s26+s3] =	stream.linear.scatter [tilespmem:s7], [sflag:$0x3], $0x4000, $0x38;
	[tilespmem:$0x8880] =	vst v63  }
0x120: {  	_ =	swait.ge [sflag:s4], $0x4000  }
0x121: {  	[sflag:s4] =	ssyncset.done $0x0  }
0x122: {  	[sflag:s4] =	ssyncadd.s32 $0xFFFFC000  }
0x123: {  	[tilespmem:s7], [sflag:$0x2] =	stream.indirect.gather [hbm4b:s1+s5], $0x80, s28, s5, $0xb8;
	[tilespmem:$0x8880] =	vst v63  }
0x124: {  	_ =	swait.ge [sflag:s8], $0x4000  }
0x125: {  	[sflag:s8] =	ssyncset.done $0x0  }
0x126: {  	[sflag:s8] =	ssyncadd.s32 $0xFFFFC000  }
0x127: {  	[hbm4b:s29+s3] =	stream.linear.scatter [tilespmem:s6], [sflag:$0x3], $0x4000, $0x38;
	[tilespmem:$0x8880] =	vst v63  }
0x128: {  	_ =	swait.ge [sflag:s4], $0x4000  }
0x129: {  	[sflag:s4] =	ssyncset.done $0x0  }
0x12a: {  	[sflag:s4] =	ssyncadd.s32 $0xFFFFC000  }
0x12b: {  	_ =	swait.ge [sflag:s10], $0x4000  }
0x12c: {  	[sflag:s10] =	ssyncset.done $0x0  }
0x12d: {  	[sflag:s10] =	ssyncadd.s32 $0xFFFFC000  }
0x12e: {  	[hbm4b:s30+s3] =	stream.linear.scatter [tilespmem:s7], [sflag:$0x3], $0x4000, $0x38;
	[tilespmem:$0x8880] =	vst v63  }
0x12f: {  	_ =	swait.ge [sflag:s4], $0x4000  }
0x130: {  	[sflag:s4] =	ssyncset.done $0x0  }
0x131: {  	s0 =	rddreg [dreg:$0x7];
	[sflag:s4] =	ssyncadd.s32 $0xFFFFC000  }
0x132: {  	[tilespmem:s31], [sflag:$0x3] =	stream.linear.gather [hbm4b:s0+s3], $0x80, $0x38;
	[tilespmem:$0x8880] =	vst v63  }
0x133: {  	_ =	swait.ge [sflag:s4], $0x80  }
0x134: {  	[sflag:s4] =	ssyncset.done $0x0  }
0x135: {  	p0 =	sne.s32 s2, $0x1;
	[sflag:s4] =	ssyncadd.s32 $0xFFFFFF80  }
0x136: {  	[tilespmem:s6], [sflag:$0x1] =	stream.indirect.gather [hbm4b:s1+s5], $0x80, s31, s5, $0xb8;
	[tilespmem:$0x8880] =	vst v63  }
.Ltmp1:
0x137: {  	_ =	swait.ge [sflag:s8], $0x4000;
	(pc) =	sbr.rel @p0 .LBB2_1-.Ltmp1, $4  }
0x138: {  	[sflag:s8] =	ssyncset.done $0x0  }
0x139: {  	s0 =	rddreg [dreg:$0x8];
	[sflag:s8] =	ssyncadd.s32 $0xFFFFC000  }
0x13a: {  	[hbm4b:s0+s3] =	stream.linear.scatter [tilespmem:s6], [sflag:$0x3], $0x4000, $0x38;
	[tilespmem:$0x8880] =	vst v63  }
0x13b: {  	s2 =	sadd.s32 $0xFFFFFFFF, s2;
	_ =	swait.ge [sflag:s4], $0x4000  }
.LBB2_2:
0x13c: {  	[sflag:s4] =	ssyncset.done $0x0  }
0x13d: {  	[sflag:s4] =	ssyncadd.s32 $0xFFFFC000  }
0x13e: {  	_ =	sfence.sel $0x180000  }
0x13f: {  	[bflag:$0x0] =	sbarrier.arrive $0xFFFF  }
0x140: {  	_ =	strace $0x9000004A  }
0x141: {  	s0 =	stileid.u32;
	[bflag:$0x2] =	sbarrier.arrive $0xFFFF  }
0x142: {  	p0 =	sne.s32 s0, $0x0;
	s0 =	rddreg [dreg:$0x4]  }
0x143: {  	s0 =	sadd.s32 @!p0 $0x100000, s0  }
0x144: {  	[sflag:s0] =	ssyncadd.tile.s32 @!p0 $0x1;
	_ =	shalt  }
.Lfunc_end2:
_tile_overlayer_lowered:
.L_overlay_start_2:
0x145: {  	(tag) =	ssettag $0x2  }
0x146: {  	s0 =	rddreg [dreg:$0x0];
	s2 =	stileid.u32  }
0x147: {  	s1 =	rddreg [dreg:$0x1];
	p0 =	sne.s32 s2, $0x0  }
0x148: {  	s3 =	rddreg [dreg:$0x2];
	[bflag:$0x3] =	sbarrier.arrive $0xFFFF;
	s2 =	simm.s32 @!p0 $0x1C03  }
0x149: {  	[timem:s3], [sflag:s2] =	dma.local @!p0 [hbm:s0], s1  }
0x14a: {  	s0 =	simm.s32 @!p0 $0x3  }
0x14b: {  	_ =	swait.ge @!p0 [sflag:s0], s1  }
0x14c: {  	s1 =	ssub.s32 @!p0 $0x0, s1;
	[sflag:s0] =	ssyncset.done @!p0 $0x0  }
0x14d: {  	[sflag:s0] =	ssyncadd.s32 @!p0 s1  }
0x14e: {  	[bflag:$0x3] =	sbarrier.arrive $0xFFFF  }
0x14f: {  	_ =	shalt  }

</sc_bundles>
